<compile_context>
chip_gen: v7x
topology: tpu7x:2x2x1
jax: 0.10.2.dev20260603
libtpu: 0.0.44.dev20260713+nightly
codegen_flags: <defaults>
</compile_context>

<pallas_src>
import jax
import jax.numpy as jnp
from jax import lax
from jax.experimental import pallas as pl
from jax.experimental.pallas import tpu as pltpu
from jax.experimental.pallas import tpu_sc as plsc

NC = 2
NS = 16
NW = NC * NS
L = 16

BINS = 256
ROWS = 16 * 512
ROW_W = 512
R_PER_W = ROWS // NW
CH_R = 32
NCHUNK = R_PER_W // CH_R
TABLE = BINS * L


def _sc_hist(img_hbm, out_hbm, buf0, buf1, table, hist, sem0, sem1):
    c = lax.axis_index("c")
    s = lax.axis_index("s")
    wid = s * NC + c
    row0 = wid * R_PER_W

    zeros = jnp.zeros((L,), jnp.float32)
    ones = jnp.ones((L,), jnp.float32)
    magic = (lax.iota(jnp.int32, L) * BINS).astype(jnp.float32) + 8388608.0
    expbits = jnp.int32(0x4B000000)

    bufs = (buf0, buf1)
    sems = (sem0, sem1)

    def cp(ci):
        return pltpu.make_async_copy(
            img_hbm.at[pl.ds(row0 + ci * CH_R, CH_R), :], bufs[ci % 2], sems[ci % 2]
        )

    cp(0).start()
    cp(1).start()

    @plsc.parallel_loop(0, TABLE // L, unroll=4)
    def _zero(i):
        table[pl.ds(i * L, L)] = zeros

    for ci in range(NCHUNK):
        cp(ci).wait()
        cur = bufs[ci % 2]

        @plsc.parallel_loop(0, CH_R * (ROW_W // L), unroll=8)
        def _vec(i, cur=cur):
            r = lax.shift_right_logical(i, 5)
            off = lax.shift_left(i & 31, 4)
            v = cur[r, pl.ds(off, L)]
            idx = plsc.bitcast(v + magic, jnp.int32) - expbits
            plsc.addupdate_scatter(table, (idx,), ones)

        if ci + 2 < NCHUNK:
            cp(ci + 2).start()

    @plsc.parallel_loop(0, BINS // L, unroll=2)
    def _red(j):
        vals = [table[pl.ds(lane * BINS + j * L, L)] for lane in range(L)]
        while len(vals) > 1:
            vals = [a + b for a, b in zip(vals[::2], vals[1::2])]
        hist[pl.ds(j * L, L)] = vals[0]

    pltpu.sync_copy(hist, out_hbm.at[wid])


_sc_call = pl.kernel(
    _sc_hist,
    out_type=jax.ShapeDtypeStruct((NW, BINS), jnp.float32),
    mesh=plsc.VectorSubcoreMesh(
        core_axis_name="c", subcore_axis_name="s", num_cores=NC, num_subcores=NS
    ),
    scratch_types=[
        pltpu.VMEM((CH_R, ROW_W), jnp.float32),
        pltpu.VMEM((CH_R, ROW_W), jnp.float32),
        pltpu.VMEM((TABLE,), jnp.float32),
        pltpu.VMEM((BINS,), jnp.float32),
        pltpu.SemaphoreType.DMA,
        pltpu.SemaphoreType.DMA,
    ],
    compiler_params=pltpu.CompilerParams(needs_layout_passes=False),
)


def _make_tc_entropy(batch, temp):
    inv_temp = 1.0 / float(temp)
    log2e = 1.4426950408889634

    def _tc_entropy(parts_ref, out_ref):
        h = jnp.sum(parts_ref[...], axis=0)
        tmp = h * inv_temp
        safe = jnp.where(tmp > 0, tmp, 1.0)
        contrib = jnp.where(tmp > 0, tmp * (jnp.log(safe) * log2e), 0.0)
        res = -jnp.sum(contrib)
        out_ref[...] = jnp.reshape(float(batch) * (8.0 - res), (1, 1))

    return pl.pallas_call(
        _tc_entropy,
        out_shape=jax.ShapeDtypeStruct((1, 1), jnp.float32),
    )


def kernel(img):
    batch, height, width = img.shape
    rows = img.reshape(batch * height, width)
    parts = _sc_call(rows)
    out = _make_tc_entropy(batch, height * width)(parts)
    return out.reshape(())

# --- scband reference (transcript-rebuilt; emitter-appended) ---
"""Pipeline reference for scband-de3-72679436583685 (READ-ONLY COPY).

The authoritative reference and input builder live on the scoring server;
editing this copy changes nothing except your own understanding.
"""

import jax, jax.numpy as jnp
import numpy as np


def setup_inputs(seed: int = 0) -> dict:
    key = jax.random.key(seed)
    img = jax.random.randint(key, (16, 512, 512), 0, 256).astype(jnp.float32)
    return {"img": img}


def reference(img):
    B = img.shape[0]
    temp = img.shape[1] * img.shape[2]
    # Note: the original torch code builds the histogram from the FULL tensor `img`
    # (not img[b]) inside the batch loop, so tmp/res are identical for every b.
    # We compute them once and replay the (faithful) accumulation over b.
    vals = []
    for i in range(256):
        mask = (img < (i + 1)) & (img >= i)
        val = jnp.sum(jnp.where(mask, 1.0, 0.0))
        vals.append(val / float(temp))
    tmp = jnp.stack(vals)
    safe_tmp = jnp.where(tmp > 0, tmp, 1.0)
    contrib = jnp.where(tmp > 0, tmp * (jnp.log(safe_tmp) / jnp.log(2.0)), 0.0)
    res = -jnp.sum(contrib)
    total = jnp.asarray(0.0, dtype=jnp.float32)
    for b in range(B):
        total = total + (8.0 - res)
    return total

if __name__ == "__main__":
    import jax
    _d = setup_inputs()
    print(jax.jit(kernel)(*tuple(_d.values())))

</pallas_src>

<mosaic_0001>
#map = affine_map<(d0, d1) -> (0, 0)>
module attributes {stable_mosaic.version = 14 : i64} {
  func.func @_sc_hist(%arg0: i32, %arg1: i32, %arg2: memref<8192x512xf32, #tpu.memory_space<hbm>>, %arg3: memref<32x256xf32, #tpu.memory_space<hbm>>, %arg4: memref<32x512xf32, #tpu.memory_space<vmem>>, %arg5: memref<32x512xf32, #tpu.memory_space<vmem>>, %arg6: memref<4096xf32, #tpu.memory_space<vmem>>, %arg7: memref<256xf32, #tpu.memory_space<vmem>>, %arg8: memref<!tpu.dma_semaphore, #tpu.memory_space<semaphore_mem>>, %arg9: memref<!tpu.dma_semaphore, #tpu.memory_space<semaphore_mem>>) attributes {dimension_semantics = [#tpu.dimension_semantics<core_parallel>, #tpu.dimension_semantics<subcore_parallel>], iteration_bounds = array<i64: 2, 16>, scalar_prefetch = 0 : i64, scratch_operands = 6 : i64, tpu.core_type = #tpu.core_type<sc_vector_subcore>, window_params = [{transform_indices = #map}, {transform_indices = #map}]} {
    %mul3A = arith.constant 2 : i32
    %mul3A_0 = arith.muli %arg1, %mul3A : i32
    %add3A = arith.addi %mul3A_0, %arg0 : i32
    %mul3A_1 = arith.constant 256 : i32
    %mul3A_2 = arith.muli %add3A, %mul3A_1 : i32
    %broadcast_in_dim3A = arith.constant 0.000000e+00 : f32
    %broadcast_in_dim3A_3 = vector.broadcast %broadcast_in_dim3A : f32 to vector<16xf32>
    %broadcast_in_dim3A_4 = arith.constant 1.000000e+00 : f32
    %broadcast_in_dim3A_5 = vector.broadcast %broadcast_in_dim3A_4 : f32 to vector<16xf32>
    %iota3A = tpu.iota {dimensions = array<i32: 0>} : vector<16xi32>
    %mul3A_6 = arith.constant 256 : i32
    %mul3A_7 = vector.broadcast %mul3A_6 : i32 to vector<16xi32>
    %mul3A_8 = arith.muli %iota3A, %mul3A_7 : vector<16xi32>
    %convert_element_type3A = arith.sitofp %mul3A_8 : vector<16xi32> to vector<16xf32>
    %add3A_9 = arith.constant 0x4B000000 : f32
    %add3A_10 = vector.broadcast %add3A_9 : f32 to vector<16xf32>
    %add3A_11 = arith.addf %convert_element_type3A, %add3A_10 : vector<16xf32>
    %add3A_12 = arith.constant 0 : i32
    %add3A_13 = arith.addi %mul3A_2, %add3A_12 : i32
    %dma_start3A = arith.constant 0 : i32
    %dma_start3A_14 = tpu.memref_slice %arg2[%add3A_13, %dma_start3A] : memref<8192x512xf32, #tpu.memory_space<hbm>> -> memref<32x512xf32, #tpu.memory_space<hbm>>
    %dma_start3A_15 = arith.constant 0 : i32
    %dma_start3A_16 = tpu.memref_slice %arg2[%add3A_13, %dma_start3A_15] : memref<8192x512xf32, #tpu.memory_space<hbm>> -> memref<32x512xf32, #tpu.memory_space<hbm>>
    tpu.enqueue_dma source(%dma_start3A_16 : memref<32x512xf32, #tpu.memory_space<hbm>>) target(%arg4 : memref<32x512xf32, #tpu.memory_space<vmem>>) target_semaphore(%arg8 : memref<!tpu.dma_semaphore, #tpu.memory_space<semaphore_mem>>)
    %add3A_17 = arith.constant 32 : i32
    %add3A_18 = arith.addi %mul3A_2, %add3A_17 : i32
    %dma_start3A_19 = arith.constant 0 : i32
    %dma_start3A_20 = tpu.memref_slice %arg2[%add3A_18, %dma_start3A_19] : memref<8192x512xf32, #tpu.memory_space<hbm>> -> memref<32x512xf32, #tpu.memory_space<hbm>>
    %dma_start3A_21 = arith.constant 0 : i32
    %dma_start3A_22 = tpu.memref_slice %arg2[%add3A_18, %dma_start3A_21] : memref<8192x512xf32, #tpu.memory_space<hbm>> -> memref<32x512xf32, #tpu.memory_space<hbm>>
    tpu.enqueue_dma source(%dma_start3A_22 : memref<32x512xf32, #tpu.memory_space<hbm>>) target(%arg5 : memref<32x512xf32, #tpu.memory_space<vmem>>) target_semaphore(%arg9 : memref<!tpu.dma_semaphore, #tpu.memory_space<semaphore_mem>>)
    %parallel_loop3A = arith.constant 0 : i32
    %parallel_loop3A_23 = arith.constant 256 : i32
    %parallel_loop3A_24 = arith.constant 1 : i32
    scf.for %parallel_loop3A_143 = %parallel_loop3A to %parallel_loop3A_23 step %parallel_loop3A_24  : i32 {
      %parallel_loop3A_144 = arith.constant 16 : i32
      %parallel_loop3A_145 = arith.muli %parallel_loop3A_143, %parallel_loop3A_144 : i32
      %parallel_loop3A_146 = arith.index_cast %parallel_loop3A_145 : i32 to index
      %parallel_loop3A_147 = tpu.vector_load %arg6[%parallel_loop3A_146] {strides = array<i32>} : memref<4096xf32, #tpu.memory_space<vmem>>, vector<16xf32>,
      tpu.vector_store %arg6[%parallel_loop3A_146], %broadcast_in_dim3A_3 {strides = array<i32>} : memref<4096xf32, #tpu.memory_space<vmem>>, vector<16xf32>,
    } {sc.loop_unroll_factor = 4 : i64, sc.parallel_access}
    %add3A_25 = arith.constant 0 : i32
    %add3A_26 = arith.addi %mul3A_2, %add3A_25 : i32
    %dma_wait3A = arith.constant 0 : i32
    %dma_wait3A_27 = tpu.memref_slice %arg2[%add3A_26, %dma_wait3A] : memref<8192x512xf32, #tpu.memory_space<hbm>> -> memref<32x512xf32, #tpu.memory_space<hbm>>
    %dma_wait3A_28 = arith.constant 0 : i32
    %dma_wait3A_29 = tpu.memref_slice %arg2[%add3A_26, %dma_wait3A_28] : memref<8192x512xf32, #tpu.memory_space<hbm>> -> memref<32x512xf32, #tpu.memory_space<hbm>>
    tpu.wait_dma2 semaphore(%arg8 : memref<!tpu.dma_semaphore, #tpu.memory_space<semaphore_mem>>) src(%dma_wait3A_29 : memref<32x512xf32, #tpu.memory_space<hbm>>) dst(%arg4 : memref<32x512xf32, #tpu.memory_space<vmem>>)
    %parallel_loop3A_30 = arith.constant 0 : i32
    %parallel_loop3A_31 = arith.constant 1024 : i32
    %parallel_loop3A_32 = arith.constant 1 : i32
    %parallel_loop3A_33 = arith.constant 1258291200 : i32
    scf.for %parallel_loop3A_143 = %parallel_loop3A_30 to %parallel_loop3A_31 step %parallel_loop3A_32  : i32 {
      %parallel_loop3A_144 = arith.constant 5 : i32
      %parallel_loop3A_145 = arith.shrui %parallel_loop3A_143, %parallel_loop3A_144 : i32
      %parallel_loop3A_146 = arith.constant 31 : i32
      %parallel_loop3A_147 = arith.andi %parallel_loop3A_143, %parallel_loop3A_146 : i32
      %parallel_loop3A_148 = arith.constant 4 : i32
      %parallel_loop3A_149 = arith.shli %parallel_loop3A_147, %parallel_loop3A_148 : i32
      %parallel_loop3A_150 = arith.index_cast %parallel_loop3A_145 : i32 to index
      %parallel_loop3A_151 = arith.index_cast %parallel_loop3A_149 : i32 to index
      %parallel_loop3A_152 = tpu.vector_load %arg4[%parallel_loop3A_150, %parallel_loop3A_151] {strides = array<i32>} : memref<32x512xf32, #tpu.memory_space<vmem>>, vector<16xf32>,
      %parallel_loop3A_153 = arith.addf %parallel_loop3A_152, %add3A_11 : vector<16xf32>
      %parallel_loop3A_154 = vector.bitcast %parallel_loop3A_153 : vector<16xf32> to vector<16xi32>
      %parallel_loop3A_155 = vector.broadcast %parallel_loop3A_33 : i32 to vector<16xi32>
      %parallel_loop3A_156 = arith.subi %parallel_loop3A_154, %parallel_loop3A_155 : vector<16xi32>
      tpu.vector_store_idx %arg6[%parallel_loop3A_156], %broadcast_in_dim3A_5 {add = true} : memref<4096xf32, #tpu.memory_space<vmem>>[vector<16xi32>], vector<16xf32>,
    } {sc.loop_unroll_factor = 8 : i64, sc.parallel_access}
    %add3A_34 = arith.constant 64 : i32
    %add3A_35 = arith.addi %mul3A_2, %add3A_34 : i32
    %dma_start3A_36 = arith.constant 0 : i32
    %dma_start3A_37 = tpu.memref_slice %arg2[%add3A_35, %dma_start3A_36] : memref<8192x512xf32, #tpu.memory_space<hbm>> -> memref<32x512xf32, #tpu.memory_space<hbm>>
    %dma_start3A_38 = arith.constant 0 : i32
    %dma_start3A_39 = tpu.memref_slice %arg2[%add3A_35, %dma_start3A_38] : memref<8192x512xf32, #tpu.memory_space<hbm>> -> memref<32x512xf32, #tpu.memory_space<hbm>>
    tpu.enqueue_dma source(%dma_start3A_39 : memref<32x512xf32, #tpu.memory_space<hbm>>) target(%arg4 : memref<32x512xf32, #tpu.memory_space<vmem>>) target_semaphore(%arg8 : memref<!tpu.dma_semaphore, #tpu.memory_space<semaphore_mem>>)
    %add3A_40 = arith.constant 32 : i32
    %add3A_41 = arith.addi %mul3A_2, %add3A_40 : i32
    %dma_wait3A_42 = arith.constant 0 : i32
    %dma_wait3A_43 = tpu.memref_slice %arg2[%add3A_41, %dma_wait3A_42] : memref<8192x512xf32, #tpu.memory_space<hbm>> -> memref<32x512xf32, #tpu.memory_space<hbm>>
    %dma_wait3A_44 = arith.constant 0 : i32
    %dma_wait3A_45 = tpu.memref_slice %arg2[%add3A_41, %dma_wait3A_44] : memref<8192x512xf32, #tpu.memory_space<hbm>> -> memref<32x512xf32, #tpu.memory_space<hbm>>
    tpu.wait_dma2 semaphore(%arg9 : memref<!tpu.dma_semaphore, #tpu.memory_space<semaphore_mem>>) src(%dma_wait3A_45 : memref<32x512xf32, #tpu.memory_space<hbm>>) dst(%arg5 : memref<32x512xf32, #tpu.memory_space<vmem>>)
    %parallel_loop3A_46 = arith.constant 0 : i32
    %parallel_loop3A_47 = arith.constant 1024 : i32
    %parallel_loop3A_48 = arith.constant 1 : i32
    %parallel_loop3A_49 = arith.constant 1258291200 : i32
    scf.for %parallel_loop3A_143 = %parallel_loop3A_46 to %parallel_loop3A_47 step %parallel_loop3A_48  : i32 {
      %parallel_loop3A_144 = arith.constant 5 : i32
      %parallel_loop3A_145 = arith.shrui %parallel_loop3A_143, %parallel_loop3A_144 : i32
      %parallel_loop3A_146 = arith.constant 31 : i32
      %parallel_loop3A_147 = arith.andi %parallel_loop3A_143, %parallel_loop3A_146 : i32
      %parallel_loop3A_148 = arith.constant 4 : i32
      %parallel_loop3A_149 = arith.shli %parallel_loop3A_147, %parallel_loop3A_148 : i32
      %parallel_loop3A_150 = arith.index_cast %parallel_loop3A_145 : i32 to index
      %parallel_loop3A_151 = arith.index_cast %parallel_loop3A_149 : i32 to index
      %parallel_loop3A_152 = tpu.vector_load %arg5[%parallel_loop3A_150, %parallel_loop3A_151] {strides = array<i32>} : memref<32x512xf32, #tpu.memory_space<vmem>>, vector<16xf32>,
      %parallel_loop3A_153 = arith.addf %parallel_loop3A_152, %add3A_11 : vector<16xf32>
      %parallel_loop3A_154 = vector.bitcast %parallel_loop3A_153 : vector<16xf32> to vector<16xi32>
      %parallel_loop3A_155 = vector.broadcast %parallel_loop3A_49 : i32 to vector<16xi32>
      %parallel_loop3A_156 = arith.subi %parallel_loop3A_154, %parallel_loop3A_155 : vector<16xi32>
      tpu.vector_store_idx %arg6[%parallel_loop3A_156], %broadcast_in_dim3A_5 {add = true} : memref<4096xf32, #tpu.memory_space<vmem>>[vector<16xi32>], vector<16xf32>,
    } {sc.loop_unroll_factor = 8 : i64, sc.parallel_access}
    %add3A_50 = arith.constant 96 : i32
    %add3A_51 = arith.addi %mul3A_2, %add3A_50 : i32
    %dma_start3A_52 = arith.constant 0 : i32
    %dma_start3A_53 = tpu.memref_slice %arg2[%add3A_51, %dma_start3A_52] : memref<8192x512xf32, #tpu.memory_space<hbm>> -> memref<32x512xf32, #tpu.memory_space<hbm>>
    %dma_start3A_54 = arith.constant 0 : i32
    %dma_start3A_55 = tpu.memref_slice %arg2[%add3A_51, %dma_start3A_54] : memref<8192x512xf32, #tpu.memory_space<hbm>> -> memref<32x512xf32, #tpu.memory_space<hbm>>
    tpu.enqueue_dma source(%dma_start3A_55 : memref<32x512xf32, #tpu.memory_space<hbm>>) target(%arg5 : memref<32x512xf32, #tpu.memory_space<vmem>>) target_semaphore(%arg9 : memref<!tpu.dma_semaphore, #tpu.memory_space<semaphore_mem>>)
    %add3A_56 = arith.constant 64 : i32
    %add3A_57 = arith.addi %mul3A_2, %add3A_56 : i32
    %dma_wait3A_58 = arith.constant 0 : i32
    %dma_wait3A_59 = tpu.memref_slice %arg2[%add3A_57, %dma_wait3A_58] : memref<8192x512xf32, #tpu.memory_space<hbm>> -> memref<32x512xf32, #tpu.memory_space<hbm>>
    %dma_wait3A_60 = arith.constant 0 : i32
    %dma_wait3A_61 = tpu.memref_slice %arg2[%add3A_57, %dma_wait3A_60] : memref<8192x512xf32, #tpu.memory_space<hbm>> -> memref<32x512xf32, #tpu.memory_space<hbm>>
    tpu.wait_dma2 semaphore(%arg8 : memref<!tpu.dma_semaphore, #tpu.memory_space<semaphore_mem>>) src(%dma_wait3A_61 : memref<32x512xf32, #tpu.memory_space<hbm>>) dst(%arg4 : memref<32x512xf32, #tpu.memory_space<vmem>>)
    %parallel_loop3A_62 = arith.constant 0 : i32
    %parallel_loop3A_63 = arith.constant 1024 : i32
    %parallel_loop3A_64 = arith.constant 1 : i32
    %parallel_loop3A_65 = arith.constant 1258291200 : i32
    scf.for %parallel_loop3A_143 = %parallel_loop3A_62 to %parallel_loop3A_63 step %parallel_loop3A_64  : i32 {
      %parallel_loop3A_144 = arith.constant 5 : i32
      %parallel_loop3A_145 = arith.shrui %parallel_loop3A_143, %parallel_loop3A_144 : i32
      %parallel_loop3A_146 = arith.constant 31 : i32
      %parallel_loop3A_147 = arith.andi %parallel_loop3A_143, %parallel_loop3A_146 : i32
      %parallel_loop3A_148 = arith.constant 4 : i32
      %parallel_loop3A_149 = arith.shli %parallel_loop3A_147, %parallel_loop3A_148 : i32
      %parallel_loop3A_150 = arith.index_cast %parallel_loop3A_145 : i32 to index
      %parallel_loop3A_151 = arith.index_cast %parallel_loop3A_149 : i32 to index
      %parallel_loop3A_152 = tpu.vector_load %arg4[%parallel_loop3A_150, %parallel_loop3A_151] {strides = array<i32>} : memref<32x512xf32, #tpu.memory_space<vmem>>, vector<16xf32>,
      %parallel_loop3A_153 = arith.addf %parallel_loop3A_152, %add3A_11 : vector<16xf32>
      %parallel_loop3A_154 = vector.bitcast %parallel_loop3A_153 : vector<16xf32> to vector<16xi32>
      %parallel_loop3A_155 = vector.broadcast %parallel_loop3A_65 : i32 to vector<16xi32>
      %parallel_loop3A_156 = arith.subi %parallel_loop3A_154, %parallel_loop3A_155 : vector<16xi32>
      tpu.vector_store_idx %arg6[%parallel_loop3A_156], %broadcast_in_dim3A_5 {add = true} : memref<4096xf32, #tpu.memory_space<vmem>>[vector<16xi32>], vector<16xf32>,
    } {sc.loop_unroll_factor = 8 : i64, sc.parallel_access}
    %add3A_66 = arith.constant 128 : i32
    %add3A_67 = arith.addi %mul3A_2, %add3A_66 : i32
    %dma_start3A_68 = arith.constant 0 : i32
    %dma_start3A_69 = tpu.memref_slice %arg2[%add3A_67, %dma_start3A_68] : memref<8192x512xf32, #tpu.memory_space<hbm>> -> memref<32x512xf32, #tpu.memory_space<hbm>>
    %dma_start3A_70 = arith.constant 0 : i32
    %dma_start3A_71 = tpu.memref_slice %arg2[%add3A_67, %dma_start3A_70] : memref<8192x512xf32, #tpu.memory_space<hbm>> -> memref<32x512xf32, #tpu.memory_space<hbm>>
    tpu.enqueue_dma source(%dma_start3A_71 : memref<32x512xf32, #tpu.memory_space<hbm>>) target(%arg4 : memref<32x512xf32, #tpu.memory_space<vmem>>) target_semaphore(%arg8 : memref<!tpu.dma_semaphore, #tpu.memory_space<semaphore_mem>>)
    %add3A_72 = arith.constant 96 : i32
    %add3A_73 = arith.addi %mul3A_2, %add3A_72 : i32
    %dma_wait3A_74 = arith.constant 0 : i32
    %dma_wait3A_75 = tpu.memref_slice %arg2[%add3A_73, %dma_wait3A_74] : memref<8192x512xf32, #tpu.memory_space<hbm>> -> memref<32x512xf32, #tpu.memory_space<hbm>>
    %dma_wait3A_76 = arith.constant 0 : i32
    %dma_wait3A_77 = tpu.memref_slice %arg2[%add3A_73, %dma_wait3A_76] : memref<8192x512xf32, #tpu.memory_space<hbm>> -> memref<32x512xf32, #tpu.memory_space<hbm>>
    tpu.wait_dma2 semaphore(%arg9 : memref<!tpu.dma_semaphore, #tpu.memory_space<semaphore_mem>>) src(%dma_wait3A_77 : memref<32x512xf32, #tpu.memory_space<hbm>>) dst(%arg5 : memref<32x512xf32, #tpu.memory_space<vmem>>)
    %parallel_loop3A_78 = arith.constant 0 : i32
    %parallel_loop3A_79 = arith.constant 1024 : i32
    %parallel_loop3A_80 = arith.constant 1 : i32
    %parallel_loop3A_81 = arith.constant 1258291200 : i32
    scf.for %parallel_loop3A_143 = %parallel_loop3A_78 to %parallel_loop3A_79 step %parallel_loop3A_80  : i32 {
      %parallel_loop3A_144 = arith.constant 5 : i32
      %parallel_loop3A_145 = arith.shrui %parallel_loop3A_143, %parallel_loop3A_144 : i32
      %parallel_loop3A_146 = arith.constant 31 : i32
      %parallel_loop3A_147 = arith.andi %parallel_loop3A_143, %parallel_loop3A_146 : i32
      %parallel_loop3A_148 = arith.constant 4 : i32
      %parallel_loop3A_149 = arith.shli %parallel_loop3A_147, %parallel_loop3A_148 : i32
      %parallel_loop3A_150 = arith.index_cast %parallel_loop3A_145 : i32 to index
      %parallel_loop3A_151 = arith.index_cast %parallel_loop3A_149 : i32 to index
      %parallel_loop3A_152 = tpu.vector_load %arg5[%parallel_loop3A_150, %parallel_loop3A_151] {strides = array<i32>} : memref<32x512xf32, #tpu.memory_space<vmem>>, vector<16xf32>,
      %parallel_loop3A_153 = arith.addf %parallel_loop3A_152, %add3A_11 : vector<16xf32>
      %parallel_loop3A_154 = vector.bitcast %parallel_loop3A_153 : vector<16xf32> to vector<16xi32>
      %parallel_loop3A_155 = vector.broadcast %parallel_loop3A_81 : i32 to vector<16xi32>
      %parallel_loop3A_156 = arith.subi %parallel_loop3A_154, %parallel_loop3A_155 : vector<16xi32>
      tpu.vector_store_idx %arg6[%parallel_loop3A_156], %broadcast_in_dim3A_5 {add = true} : memref<4096xf32, #tpu.memory_space<vmem>>[vector<16xi32>], vector<16xf32>,
    } {sc.loop_unroll_factor = 8 : i64, sc.parallel_access}
    %add3A_82 = arith.constant 160 : i32
    %add3A_83 = arith.addi %mul3A_2, %add3A_82 : i32
    %dma_start3A_84 = arith.constant 0 : i32
    %dma_start3A_85 = tpu.memref_slice %arg2[%add3A_83, %dma_start3A_84] : memref<8192x512xf32, #tpu.memory_space<hbm>> -> memref<32x512xf32, #tpu.memory_space<hbm>>
    %dma_start3A_86 = arith.constant 0 : i32
    %dma_start3A_87 = tpu.memref_slice %arg2[%add3A_83, %dma_start3A_86] : memref<8192x512xf32, #tpu.memory_space<hbm>> -> memref<32x512xf32, #tpu.memory_space<hbm>>
    tpu.enqueue_dma source(%dma_start3A_87 : memref<32x512xf32, #tpu.memory_space<hbm>>) target(%arg5 : memref<32x512xf32, #tpu.memory_space<vmem>>) target_semaphore(%arg9 : memref<!tpu.dma_semaphore, #tpu.memory_space<semaphore_mem>>)
    %add3A_88 = arith.constant 128 : i32
    %add3A_89 = arith.addi %mul3A_2, %add3A_88 : i32
    %dma_wait3A_90 = arith.constant 0 : i32
    %dma_wait3A_91 = tpu.memref_slice %arg2[%add3A_89, %dma_wait3A_90] : memref<8192x512xf32, #tpu.memory_space<hbm>> -> memref<32x512xf32, #tpu.memory_space<hbm>>
    %dma_wait3A_92 = arith.constant 0 : i32
    %dma_wait3A_93 = tpu.memref_slice %arg2[%add3A_89, %dma_wait3A_92] : memref<8192x512xf32, #tpu.memory_space<hbm>> -> memref<32x512xf32, #tpu.memory_space<hbm>>
    tpu.wait_dma2 semaphore(%arg8 : memref<!tpu.dma_semaphore, #tpu.memory_space<semaphore_mem>>) src(%dma_wait3A_93 : memref<32x512xf32, #tpu.memory_space<hbm>>) dst(%arg4 : memref<32x512xf32, #tpu.memory_space<vmem>>)
    %parallel_loop3A_94 = arith.constant 0 : i32
    %parallel_loop3A_95 = arith.constant 1024 : i32
    %parallel_loop3A_96 = arith.constant 1 : i32
    %parallel_loop3A_97 = arith.constant 1258291200 : i32
    scf.for %parallel_loop3A_143 = %parallel_loop3A_94 to %parallel_loop3A_95 step %parallel_loop3A_96  : i32 {
      %parallel_loop3A_144 = arith.constant 5 : i32
      %parallel_loop3A_145 = arith.shrui %parallel_loop3A_143, %parallel_loop3A_144 : i32
      %parallel_loop3A_146 = arith.constant 31 : i32
      %parallel_loop3A_147 = arith.andi %parallel_loop3A_143, %parallel_loop3A_146 : i32
      %parallel_loop3A_148 = arith.constant 4 : i32
      %parallel_loop3A_149 = arith.shli %parallel_loop3A_147, %parallel_loop3A_148 : i32
      %parallel_loop3A_150 = arith.index_cast %parallel_loop3A_145 : i32 to index
      %parallel_loop3A_151 = arith.index_cast %parallel_loop3A_149 : i32 to index
      %parallel_loop3A_152 = tpu.vector_load %arg4[%parallel_loop3A_150, %parallel_loop3A_151] {strides = array<i32>} : memref<32x512xf32, #tpu.memory_space<vmem>>, vector<16xf32>,
      %parallel_loop3A_153 = arith.addf %parallel_loop3A_152, %add3A_11 : vector<16xf32>
      %parallel_loop3A_154 = vector.bitcast %parallel_loop3A_153 : vector<16xf32> to vector<16xi32>
      %parallel_loop3A_155 = vector.broadcast %parallel_loop3A_97 : i32 to vector<16xi32>
      %parallel_loop3A_156 = arith.subi %parallel_loop3A_154, %parallel_loop3A_155 : vector<16xi32>
      tpu.vector_store_idx %arg6[%parallel_loop3A_156], %broadcast_in_dim3A_5 {add = true} : memref<4096xf32, #tpu.memory_space<vmem>>[vector<16xi32>], vector<16xf32>,
    } {sc.loop_unroll_factor = 8 : i64, sc.parallel_access}
    %add3A_98 = arith.constant 192 : i32
    %add3A_99 = arith.addi %mul3A_2, %add3A_98 : i32
    %dma_start3A_100 = arith.constant 0 : i32
    %dma_start3A_101 = tpu.memref_slice %arg2[%add3A_99, %dma_start3A_100] : memref<8192x512xf32, #tpu.memory_space<hbm>> -> memref<32x512xf32, #tpu.memory_space<hbm>>
    %dma_start3A_102 = arith.constant 0 : i32
    %dma_start3A_103 = tpu.memref_slice %arg2[%add3A_99, %dma_start3A_102] : memref<8192x512xf32, #tpu.memory_space<hbm>> -> memref<32x512xf32, #tpu.memory_space<hbm>>
    tpu.enqueue_dma source(%dma_start3A_103 : memref<32x512xf32, #tpu.memory_space<hbm>>) target(%arg4 : memref<32x512xf32, #tpu.memory_space<vmem>>) target_semaphore(%arg8 : memref<!tpu.dma_semaphore, #tpu.memory_space<semaphore_mem>>)
    %add3A_104 = arith.constant 160 : i32
    %add3A_105 = arith.addi %mul3A_2, %add3A_104 : i32
    %dma_wait3A_106 = arith.constant 0 : i32
    %dma_wait3A_107 = tpu.memref_slice %arg2[%add3A_105, %dma_wait3A_106] : memref<8192x512xf32, #tpu.memory_space<hbm>> -> memref<32x512xf32, #tpu.memory_space<hbm>>
    %dma_wait3A_108 = arith.constant 0 : i32
    %dma_wait3A_109 = tpu.memref_slice %arg2[%add3A_105, %dma_wait3A_108] : memref<8192x512xf32, #tpu.memory_space<hbm>> -> memref<32x512xf32, #tpu.memory_space<hbm>>
    tpu.wait_dma2 semaphore(%arg9 : memref<!tpu.dma_semaphore, #tpu.memory_space<semaphore_mem>>) src(%dma_wait3A_109 : memref<32x512xf32, #tpu.memory_space<hbm>>) dst(%arg5 : memref<32x512xf32, #tpu.memory_space<vmem>>)
    %parallel_loop3A_110 = arith.constant 0 : i32
    %parallel_loop3A_111 = arith.constant 1024 : i32
    %parallel_loop3A_112 = arith.constant 1 : i32
    %parallel_loop3A_113 = arith.constant 1258291200 : i32
    scf.for %parallel_loop3A_143 = %parallel_loop3A_110 to %parallel_loop3A_111 step %parallel_loop3A_112  : i32 {
      %parallel_loop3A_144 = arith.constant 5 : i32
      %parallel_loop3A_145 = arith.shrui %parallel_loop3A_143, %parallel_loop3A_144 : i32
      %parallel_loop3A_146 = arith.constant 31 : i32
      %parallel_loop3A_147 = arith.andi %parallel_loop3A_143, %parallel_loop3A_146 : i32
      %parallel_loop3A_148 = arith.constant 4 : i32
      %parallel_loop3A_149 = arith.shli %parallel_loop3A_147, %parallel_loop3A_148 : i32
      %parallel_loop3A_150 = arith.index_cast %parallel_loop3A_145 : i32 to index
      %parallel_loop3A_151 = arith.index_cast %parallel_loop3A_149 : i32 to index
      %parallel_loop3A_152 = tpu.vector_load %arg5[%parallel_loop3A_150, %parallel_loop3A_151] {strides = array<i32>} : memref<32x512xf32, #tpu.memory_space<vmem>>, vector<16xf32>,
      %parallel_loop3A_153 = arith.addf %parallel_loop3A_152, %add3A_11 : vector<16xf32>
      %parallel_loop3A_154 = vector.bitcast %parallel_loop3A_153 : vector<16xf32> to vector<16xi32>
      %parallel_loop3A_155 = vector.broadcast %parallel_loop3A_113 : i32 to vector<16xi32>
      %parallel_loop3A_156 = arith.subi %parallel_loop3A_154, %parallel_loop3A_155 : vector<16xi32>
      tpu.vector_store_idx %arg6[%parallel_loop3A_156], %broadcast_in_dim3A_5 {add = true} : memref<4096xf32, #tpu.memory_space<vmem>>[vector<16xi32>], vector<16xf32>,
    } {sc.loop_unroll_factor = 8 : i64, sc.parallel_access}
    %add3A_114 = arith.constant 224 : i32
    %add3A_115 = arith.addi %mul3A_2, %add3A_114 : i32
    %dma_start3A_116 = arith.constant 0 : i32
    %dma_start3A_117 = tpu.memref_slice %arg2[%add3A_115, %dma_start3A_116] : memref<8192x512xf32, #tpu.memory_space<hbm>> -> memref<32x512xf32, #tpu.memory_space<hbm>>
    %dma_start3A_118 = arith.constant 0 : i32
    %dma_start3A_119 = tpu.memref_slice %arg2[%add3A_115, %dma_start3A_118] : memref<8192x512xf32, #tpu.memory_space<hbm>> -> memref<32x512xf32, #tpu.memory_space<hbm>>
    tpu.enqueue_dma source(%dma_start3A_119 : memref<32x512xf32, #tpu.memory_space<hbm>>) target(%arg5 : memref<32x512xf32, #tpu.memory_space<vmem>>) target_semaphore(%arg9 : memref<!tpu.dma_semaphore, #tpu.memory_space<semaphore_mem>>)
    %add3A_120 = arith.constant 192 : i32
    %add3A_121 = arith.addi %mul3A_2, %add3A_120 : i32
    %dma_wait3A_122 = arith.constant 0 : i32
    %dma_wait3A_123 = tpu.memref_slice %arg2[%add3A_121, %dma_wait3A_122] : memref<8192x512xf32, #tpu.memory_space<hbm>> -> memref<32x512xf32, #tpu.memory_space<hbm>>
    %dma_wait3A_124 = arith.constant 0 : i32
    %dma_wait3A_125 = tpu.memref_slice %arg2[%add3A_121, %dma_wait3A_124] : memref<8192x512xf32, #tpu.memory_space<hbm>> -> memref<32x512xf32, #tpu.memory_space<hbm>>
    tpu.wait_dma2 semaphore(%arg8 : memref<!tpu.dma_semaphore, #tpu.memory_space<semaphore_mem>>) src(%dma_wait3A_125 : memref<32x512xf32, #tpu.memory_space<hbm>>) dst(%arg4 : memref<32x512xf32, #tpu.memory_space<vmem>>)
    %parallel_loop3A_126 = arith.constant 0 : i32
    %parallel_loop3A_127 = arith.constant 1024 : i32
    %parallel_loop3A_128 = arith.constant 1 : i32
    %parallel_loop3A_129 = arith.constant 1258291200 : i32
    scf.for %parallel_loop3A_143 = %parallel_loop3A_126 to %parallel_loop3A_127 step %parallel_loop3A_128  : i32 {
      %parallel_loop3A_144 = arith.constant 5 : i32
      %parallel_loop3A_145 = arith.shrui %parallel_loop3A_143, %parallel_loop3A_144 : i32
      %parallel_loop3A_146 = arith.constant 31 : i32
      %parallel_loop3A_147 = arith.andi %parallel_loop3A_143, %parallel_loop3A_146 : i32
      %parallel_loop3A_148 = arith.constant 4 : i32
      %parallel_loop3A_149 = arith.shli %parallel_loop3A_147, %parallel_loop3A_148 : i32
      %parallel_loop3A_150 = arith.index_cast %parallel_loop3A_145 : i32 to index
      %parallel_loop3A_151 = arith.index_cast %parallel_loop3A_149 : i32 to index
      %parallel_loop3A_152 = tpu.vector_load %arg4[%parallel_loop3A_150, %parallel_loop3A_151] {strides = array<i32>} : memref<32x512xf32, #tpu.memory_space<vmem>>, vector<16xf32>,
      %parallel_loop3A_153 = arith.addf %parallel_loop3A_152, %add3A_11 : vector<16xf32>
      %parallel_loop3A_154 = vector.bitcast %parallel_loop3A_153 : vector<16xf32> to vector<16xi32>
      %parallel_loop3A_155 = vector.broadcast %parallel_loop3A_129 : i32 to vector<16xi32>
      %parallel_loop3A_156 = arith.subi %parallel_loop3A_154, %parallel_loop3A_155 : vector<16xi32>
      tpu.vector_store_idx %arg6[%parallel_loop3A_156], %broadcast_in_dim3A_5 {add = true} : memref<4096xf32, #tpu.memory_space<vmem>>[vector<16xi32>], vector<16xf32>,
    } {sc.loop_unroll_factor = 8 : i64, sc.parallel_access}
    %add3A_130 = arith.constant 224 : i32
    %add3A_131 = arith.addi %mul3A_2, %add3A_130 : i32
    %dma_wait3A_132 = arith.constant 0 : i32
    %dma_wait3A_133 = tpu.memref_slice %arg2[%add3A_131, %dma_wait3A_132] : memref<8192x512xf32, #tpu.memory_space<hbm>> -> memref<32x512xf32, #tpu.memory_space<hbm>>
    %dma_wait3A_134 = arith.constant 0 : i32
    %dma_wait3A_135 = tpu.memref_slice %arg2[%add3A_131, %dma_wait3A_134] : memref<8192x512xf32, #tpu.memory_space<hbm>> -> memref<32x512xf32, #tpu.memory_space<hbm>>
    tpu.wait_dma2 semaphore(%arg9 : memref<!tpu.dma_semaphore, #tpu.memory_space<semaphore_mem>>) src(%dma_wait3A_135 : memref<32x512xf32, #tpu.memory_space<hbm>>) dst(%arg5 : memref<32x512xf32, #tpu.memory_space<vmem>>)
    %parallel_loop3A_136 = arith.constant 0 : i32
    %parallel_loop3A_137 = arith.constant 1024 : i32
    %parallel_loop3A_138 = arith.constant 1 : i32
    %parallel_loop3A_139 = arith.constant 1258291200 : i32
    scf.for %parallel_loop3A_143 = %parallel_loop3A_136 to %parallel_loop3A_137 step %parallel_loop3A_138  : i32 {
      %parallel_loop3A_144 = arith.constant 5 : i32
      %parallel_loop3A_145 = arith.shrui %parallel_loop3A_143, %parallel_loop3A_144 : i32
      %parallel_loop3A_146 = arith.constant 31 : i32
      %parallel_loop3A_147 = arith.andi %parallel_loop3A_143, %parallel_loop3A_146 : i32
      %parallel_loop3A_148 = arith.constant 4 : i32
      %parallel_loop3A_149 = arith.shli %parallel_loop3A_147, %parallel_loop3A_148 : i32
      %parallel_loop3A_150 = arith.index_cast %parallel_loop3A_145 : i32 to index
      %parallel_loop3A_151 = arith.index_cast %parallel_loop3A_149 : i32 to index
      %parallel_loop3A_152 = tpu.vector_load %arg5[%parallel_loop3A_150, %parallel_loop3A_151] {strides = array<i32>} : memref<32x512xf32, #tpu.memory_space<vmem>>, vector<16xf32>,
      %parallel_loop3A_153 = arith.addf %parallel_loop3A_152, %add3A_11 : vector<16xf32>
      %parallel_loop3A_154 = vector.bitcast %parallel_loop3A_153 : vector<16xf32> to vector<16xi32>
      %parallel_loop3A_155 = vector.broadcast %parallel_loop3A_139 : i32 to vector<16xi32>
      %parallel_loop3A_156 = arith.subi %parallel_loop3A_154, %parallel_loop3A_155 : vector<16xi32>
      tpu.vector_store_idx %arg6[%parallel_loop3A_156], %broadcast_in_dim3A_5 {add = true} : memref<4096xf32, #tpu.memory_space<vmem>>[vector<16xi32>], vector<16xf32>,
    } {sc.loop_unroll_factor = 8 : i64, sc.parallel_access}
    %parallel_loop3A_140 = arith.constant 0 : i32
    %parallel_loop3A_141 = arith.constant 16 : i32
    %parallel_loop3A_142 = arith.constant 1 : i32
    scf.for %parallel_loop3A_143 = %parallel_loop3A_140 to %parallel_loop3A_141 step %parallel_loop3A_142  : i32 {
      %parallel_loop3A_144 = arith.constant 16 : i32
      %parallel_loop3A_145 = arith.muli %parallel_loop3A_143, %parallel_loop3A_144 : i32
      %parallel_loop3A_146 = arith.constant 0 : i32
      %parallel_loop3A_147 = arith.addi %parallel_loop3A_146, %parallel_loop3A_145 : i32
      %parallel_loop3A_148 = arith.index_cast %parallel_loop3A_147 : i32 to index
      %parallel_loop3A_149 = tpu.vector_load %arg6[%parallel_loop3A_148] {strides = array<i32>} : memref<4096xf32, #tpu.memory_space<vmem>>, vector<16xf32>,
      %parallel_loop3A_150 = arith.constant 16 : i32
      %parallel_loop3A_151 = arith.muli %parallel_loop3A_143, %parallel_loop3A_150 : i32
      %parallel_loop3A_152 = arith.constant 256 : i32
      %parallel_loop3A_153 = arith.addi %parallel_loop3A_152, %parallel_loop3A_151 : i32
      %parallel_loop3A_154 = arith.index_cast %parallel_loop3A_153 : i32 to index
      %parallel_loop3A_155 = tpu.vector_load %arg6[%parallel_loop3A_154] {strides = array<i32>} : memref<4096xf32, #tpu.memory_space<vmem>>, vector<16xf32>,
      %parallel_loop3A_156 = arith.constant 16 : i32
      %parallel_loop3A_157 = arith.muli %parallel_loop3A_143, %parallel_loop3A_156 : i32
      %parallel_loop3A_158 = arith.constant 512 : i32
      %parallel_loop3A_159 = arith.addi %parallel_loop3A_158, %parallel_loop3A_157 : i32
      %parallel_loop3A_160 = arith.index_cast %parallel_loop3A_159 : i32 to index
      %parallel_loop3A_161 = tpu.vector_load %arg6[%parallel_loop3A_160] {strides = array<i32>} : memref<4096xf32, #tpu.memory_space<vmem>>, vector<16xf32>,
      %parallel_loop3A_162 = arith.constant 16 : i32
      %parallel_loop3A_163 = arith.muli %parallel_loop3A_143, %parallel_loop3A_162 : i32
      %parallel_loop3A_164 = arith.constant 768 : i32
      %parallel_loop3A_165 = arith.addi %parallel_loop3A_164, %parallel_loop3A_163 : i32
      %parallel_loop3A_166 = arith.index_cast %parallel_loop3A_165 : i32 to index
      %parallel_loop3A_167 = tpu.vector_load %arg6[%parallel_loop3A_166] {strides = array<i32>} : memref<4096xf32, #tpu.memory_space<vmem>>, vector<16xf32>,
      %parallel_loop3A_168 = arith.constant 16 : i32
      %parallel_loop3A_169 = arith.muli %parallel_loop3A_143, %parallel_loop3A_168 : i32
      %parallel_loop3A_170 = arith.constant 1024 : i32
      %parallel_loop3A_171 = arith.addi %parallel_loop3A_170, %parallel_loop3A_169 : i32
      %parallel_loop3A_172 = arith.index_cast %parallel_loop3A_171 : i32 to index
      %parallel_loop3A_173 = tpu.vector_load %arg6[%parallel_loop3A_172] {strides = array<i32>} : memref<4096xf32, #tpu.memory_space<vmem>>, vector<16xf32>,
      %parallel_loop3A_174 = arith.constant 16 : i32
      %parallel_loop3A_175 = arith.muli %parallel_loop3A_143, %parallel_loop3A_174 : i32
      %parallel_loop3A_176 = arith.constant 1280 : i32
      %parallel_loop3A_177 = arith.addi %parallel_loop3A_176, %parallel_loop3A_175 : i32
      %parallel_loop3A_178 = arith.index_cast %parallel_loop3A_177 : i32 to index
      %parallel_loop3A_179 = tpu.vector_load %arg6[%parallel_loop3A_178] {strides = array<i32>} : memref<4096xf32, #tpu.memory_space<vmem>>, vector<16xf32>,
      %parallel_loop3A_180 = arith.constant 16 : i32
      %parallel_loop3A_181 = arith.muli %parallel_loop3A_143, %parallel_loop3A_180 : i32
      %parallel_loop3A_182 = arith.constant 1536 : i32
      %parallel_loop3A_183 = arith.addi %parallel_loop3A_182, %parallel_loop3A_181 : i32
      %parallel_loop3A_184 = arith.index_cast %parallel_loop3A_183 : i32 to index
      %parallel_loop3A_185 = tpu.vector_load %arg6[%parallel_loop3A_184] {strides = array<i32>} : memref<4096xf32, #tpu.memory_space<vmem>>, vector<16xf32>,
      %parallel_loop3A_186 = arith.constant 16 : i32
      %parallel_loop3A_187 = arith.muli %parallel_loop3A_143, %parallel_loop3A_186 : i32
      %parallel_loop3A_188 = arith.constant 1792 : i32
      %parallel_loop3A_189 = arith.addi %parallel_loop3A_188, %parallel_loop3A_187 : i32
      %parallel_loop3A_190 = arith.index_cast %parallel_loop3A_189 : i32 to index
      %parallel_loop3A_191 = tpu.vector_load %arg6[%parallel_loop3A_190] {strides = array<i32>} : memref<4096xf32, #tpu.memory_space<vmem>>, vector<16xf32>,
      %parallel_loop3A_192 = arith.constant 16 : i32
      %parallel_loop3A_193 = arith.muli %parallel_loop3A_143, %parallel_loop3A_192 : i32
      %parallel_loop3A_194 = arith.constant 2048 : i32
      %parallel_loop3A_195 = arith.addi %parallel_loop3A_194, %parallel_loop3A_193 : i32
      %parallel_loop3A_196 = arith.index_cast %parallel_loop3A_195 : i32 to index
      %parallel_loop3A_197 = tpu.vector_load %arg6[%parallel_loop3A_196] {strides = array<i32>} : memref<4096xf32, #tpu.memory_space<vmem>>, vector<16xf32>,
      %parallel_loop3A_198 = arith.constant 16 : i32
      %parallel_loop3A_199 = arith.muli %parallel_loop3A_143, %parallel_loop3A_198 : i32
      %parallel_loop3A_200 = arith.constant 2304 : i32
      %parallel_loop3A_201 = arith.addi %parallel_loop3A_200, %parallel_loop3A_199 : i32
      %parallel_loop3A_202 = arith.index_cast %parallel_loop3A_201 : i32 to index
      %parallel_loop3A_203 = tpu.vector_load %arg6[%parallel_loop3A_202] {strides = array<i32>} : memref<4096xf32, #tpu.memory_space<vmem>>, vector<16xf32>,
      %parallel_loop3A_204 = arith.constant 16 : i32
      %parallel_loop3A_205 = arith.muli %parallel_loop3A_143, %parallel_loop3A_204 : i32
      %parallel_loop3A_206 = arith.constant 2560 : i32
      %parallel_loop3A_207 = arith.addi %parallel_loop3A_206, %parallel_loop3A_205 : i32
      %parallel_loop3A_208 = arith.index_cast %parallel_loop3A_207 : i32 to index
      %parallel_loop3A_209 = tpu.vector_load %arg6[%parallel_loop3A_208] {strides = array<i32>} : memref<4096xf32, #tpu.memory_space<vmem>>, vector<16xf32>,
      %parallel_loop3A_210 = arith.constant 16 : i32
      %parallel_loop3A_211 = arith.muli %parallel_loop3A_143, %parallel_loop3A_210 : i32
      %parallel_loop3A_212 = arith.constant 2816 : i32
      %parallel_loop3A_213 = arith.addi %parallel_loop3A_212, %parallel_loop3A_211 : i32
      %parallel_loop3A_214 = arith.index_cast %parallel_loop3A_213 : i32 to index
      %parallel_loop3A_215 = tpu.vector_load %arg6[%parallel_loop3A_214] {strides = array<i32>} : memref<4096xf32, #tpu.memory_space<vmem>>, vector<16xf32>,
      %parallel_loop3A_216 = arith.constant 16 : i32
      %parallel_loop3A_217 = arith.muli %parallel_loop3A_143, %parallel_loop3A_216 : i32
      %parallel_loop3A_218 = arith.constant 3072 : i32
      %parallel_loop3A_219 = arith.addi %parallel_loop3A_218, %parallel_loop3A_217 : i32
      %parallel_loop3A_220 = arith.index_cast %parallel_loop3A_219 : i32 to index
      %parallel_loop3A_221 = tpu.vector_load %arg6[%parallel_loop3A_220] {strides = array<i32>} : memref<4096xf32, #tpu.memory_space<vmem>>, vector<16xf32>,
      %parallel_loop3A_222 = arith.constant 16 : i32
      %parallel_loop3A_223 = arith.muli %parallel_loop3A_143, %parallel_loop3A_222 : i32
      %parallel_loop3A_224 = arith.constant 3328 : i32
      %parallel_loop3A_225 = arith.addi %parallel_loop3A_224, %parallel_loop3A_223 : i32
      %parallel_loop3A_226 = arith.index_cast %parallel_loop3A_225 : i32 to index
      %parallel_loop3A_227 = tpu.vector_load %arg6[%parallel_loop3A_226] {strides = array<i32>} : memref<4096xf32, #tpu.memory_space<vmem>>, vector<16xf32>,
      %parallel_loop3A_228 = arith.constant 16 : i32
      %parallel_loop3A_229 = arith.muli %parallel_loop3A_143, %parallel_loop3A_228 : i32
      %parallel_loop3A_230 = arith.constant 3584 : i32
      %parallel_loop3A_231 = arith.addi %parallel_loop3A_230, %parallel_loop3A_229 : i32
      %parallel_loop3A_232 = arith.index_cast %parallel_loop3A_231 : i32 to index
      %parallel_loop3A_233 = tpu.vector_load %arg6[%parallel_loop3A_232] {strides = array<i32>} : memref<4096xf32, #tpu.memory_space<vmem>>, vector<16xf32>,
      %parallel_loop3A_234 = arith.constant 16 : i32
      %parallel_loop3A_235 = arith.muli %parallel_loop3A_143, %parallel_loop3A_234 : i32
      %parallel_loop3A_236 = arith.constant 3840 : i32
      %parallel_loop3A_237 = arith.addi %parallel_loop3A_236, %parallel_loop3A_235 : i32
      %parallel_loop3A_238 = arith.index_cast %parallel_loop3A_237 : i32 to index
      %parallel_loop3A_239 = tpu.vector_load %arg6[%parallel_loop3A_238] {strides = array<i32>} : memref<4096xf32, #tpu.memory_space<vmem>>, vector<16xf32>,
      %parallel_loop3A_240 = arith.addf %parallel_loop3A_149, %parallel_loop3A_155 : vector<16xf32>
      %parallel_loop3A_241 = arith.addf %parallel_loop3A_161, %parallel_loop3A_167 : vector<16xf32>
      %parallel_loop3A_242 = arith.addf %parallel_loop3A_173, %parallel_loop3A_179 : vector<16xf32>
      %parallel_loop3A_243 = arith.addf %parallel_loop3A_185, %parallel_loop3A_191 : vector<16xf32>
      %parallel_loop3A_244 = arith.addf %parallel_loop3A_197, %parallel_loop3A_203 : vector<16xf32>
      %parallel_loop3A_245 = arith.addf %parallel_loop3A_209, %parallel_loop3A_215 : vector<16xf32>
      %parallel_loop3A_246 = arith.addf %parallel_loop3A_221, %parallel_loop3A_227 : vector<16xf32>
      %parallel_loop3A_247 = arith.addf %parallel_loop3A_233, %parallel_loop3A_239 : vector<16xf32>
      %parallel_loop3A_248 = arith.addf %parallel_loop3A_240, %parallel_loop3A_241 : vector<16xf32>
      %parallel_loop3A_249 = arith.addf %parallel_loop3A_242, %parallel_loop3A_243 : vector<16xf32>
      %parallel_loop3A_250 = arith.addf %parallel_loop3A_244, %parallel_loop3A_245 : vector<16xf32>
      %parallel_loop3A_251 = arith.addf %parallel_loop3A_246, %parallel_loop3A_247 : vector<16xf32>
      %parallel_loop3A_252 = arith.addf %parallel_loop3A_248, %parallel_loop3A_249 : vector<16xf32>
      %parallel_loop3A_253 = arith.addf %parallel_loop3A_250, %parallel_loop3A_251 : vector<16xf32>
      %parallel_loop3A_254 = arith.addf %parallel_loop3A_252, %parallel_loop3A_253 : vector<16xf32>
      %parallel_loop3A_255 = arith.constant 16 : i32
      %parallel_loop3A_256 = arith.muli %parallel_loop3A_143, %parallel_loop3A_255 : i32
      %parallel_loop3A_257 = arith.index_cast %parallel_loop3A_256 : i32 to index
      %parallel_loop3A_258 = tpu.vector_load %arg7[%parallel_loop3A_257] {strides = array<i32>} : memref<256xf32, #tpu.memory_space<vmem>>, vector<16xf32>,
      tpu.vector_store %arg7[%parallel_loop3A_257], %parallel_loop3A_254 {strides = array<i32>} : memref<256xf32, #tpu.memory_space<vmem>>, vector<16xf32>,
    } {sc.loop_unroll_factor = 2 : i64, sc.parallel_access}
    "tpu.region"() ({
      %run_scoped3A = tpu.sem_alloc : memref<!tpu.dma_semaphore, #tpu.memory_space<semaphore_mem>>
      %dma_start3A_143 = arith.constant 0 : i32
      %dma_start3A_144 = tpu.memref_slice %arg3[%add3A, %dma_start3A_143] : memref<32x256xf32, #tpu.memory_space<hbm>> -> memref<1x256xf32, #tpu.memory_space<hbm>>
      %dma_start3A_145 = tpu.memref_squeeze %dma_start3A_144 : memref<1x256xf32, #tpu.memory_space<hbm>> -> memref<256xf32, #tpu.memory_space<hbm>>
      %dma_start3A_146 = arith.constant 0 : i32
      %dma_start3A_147 = tpu.memref_slice %arg3[%add3A, %dma_start3A_146] : memref<32x256xf32, #tpu.memory_space<hbm>> -> memref<1x256xf32, #tpu.memory_space<hbm>>
      %dma_start3A_148 = tpu.memref_squeeze %dma_start3A_147 : memref<1x256xf32, #tpu.memory_space<hbm>> -> memref<256xf32, #tpu.memory_space<hbm>>
      tpu.enqueue_dma source(%arg7 : memref<256xf32, #tpu.memory_space<vmem>>) target(%dma_start3A_148 : memref<256xf32, #tpu.memory_space<hbm>>) target_semaphore(%run_scoped3A : memref<!tpu.dma_semaphore, #tpu.memory_space<semaphore_mem>>)
      %dma_wait3A_149 = arith.constant 0 : i32
      %dma_wait3A_150 = tpu.memref_slice %arg3[%add3A, %dma_wait3A_149] : memref<32x256xf32, #tpu.memory_space<hbm>> -> memref<1x256xf32, #tpu.memory_space<hbm>>
      %dma_wait3A_151 = tpu.memref_squeeze %dma_wait3A_150 : memref<1x256xf32, #tpu.memory_space<hbm>> -> memref<256xf32, #tpu.memory_space<hbm>>
      %dma_wait3A_152 = arith.constant 0 : i32
      %dma_wait3A_153 = tpu.memref_slice %arg3[%add3A, %dma_wait3A_152] : memref<32x256xf32, #tpu.memory_space<hbm>> -> memref<1x256xf32, #tpu.memory_space<hbm>>
      %dma_wait3A_154 = tpu.memref_squeeze %dma_wait3A_153 : memref<1x256xf32, #tpu.memory_space<hbm>> -> memref<256xf32, #tpu.memory_space<hbm>>
      tpu.wait_dma2 semaphore(%run_scoped3A : memref<!tpu.dma_semaphore, #tpu.memory_space<semaphore_mem>>) src(%arg7 : memref<256xf32, #tpu.memory_space<vmem>>) dst(%dma_wait3A_154 : memref<256xf32, #tpu.memory_space<hbm>>)
      tpu.yield
    }) : () -> ()
    return
  }
}

module attributes {stable_mosaic.version = 14 : i64} {
  func.func @_tc_entropy(%arg0: memref<32x256xf32, #tpu.memory_space<vmem>>, %arg1: memref<1x1xf32, #tpu.memory_space<vmem>>) attributes {dimension_semantics = [], scalar_prefetch = 0 : i64, scratch_operands = 0 : i64, tpu.core_type = #tpu.core_type<tc>} {
    %get3A = arith.constant 0 : index
    %get3A_0 = arith.constant 0 : index
    %get3A_1 = vector.load %arg0[%get3A, %get3A_0] : memref<32x256xf32, #tpu.memory_space<vmem>>, vector<32x256xf32>
    %reduce_sum3A = arith.constant dense<0.000000e+00> : vector<256xf32>
    %reduce_sum3A_2 = vector.multi_reduction <add>, %get3A_1, %reduce_sum3A [0] : vector<32x256xf32> to vector<256xf32>
    %mul3A = arith.constant 3.81469727E-6 : f32
    %mul3A_3 = vector.broadcast %mul3A : f32 to vector<256xf32>
    %mul3A_4 = arith.mulf %reduce_sum3A_2, %mul3A_3 : vector<256xf32>
    %gt3A = arith.constant 0.000000e+00 : f32
    %gt3A_5 = vector.broadcast %gt3A : f32 to vector<256xf32>
    %gt3A_6 = arith.cmpf ogt, %mul3A_4, %gt3A_5 : vector<256xf32>
    %jit3A = arith.constant 1.000000e+00 : f32
    %broadcast_in_dim3A = vector.broadcast %jit3A : f32 to vector<256xf32>
    %select_n3A = arith.select %gt3A_6, %mul3A_4, %broadcast_in_dim3A : vector<256xi1>, vector<256xf32>
    %gt3A_7 = arith.constant 0.000000e+00 : f32
    %gt3A_8 = vector.broadcast %gt3A_7 : f32 to vector<256xf32>
    %gt3A_9 = arith.cmpf ogt, %mul3A_4, %gt3A_8 : vector<256xf32>
    %log3A = math.log %select_n3A : vector<256xf32>
    %mul3A_10 = arith.constant 1.44269502 : f32
    %mul3A_11 = vector.broadcast %mul3A_10 : f32 to vector<256xf32>
    %mul3A_12 = arith.mulf %log3A, %mul3A_11 : vector<256xf32>
    %mul3A_13 = arith.mulf %mul3A_4, %mul3A_12 : vector<256xf32>
    %jit3A_14 = arith.constant 0.000000e+00 : f32
    %broadcast_in_dim3A_15 = vector.broadcast %jit3A_14 : f32 to vector<256xf32>
    %select_n3A_16 = arith.select %gt3A_9, %mul3A_13, %broadcast_in_dim3A_15 : vector<256xi1>, vector<256xf32>
    %reduce_sum3A_17 = vector.shape_cast %select_n3A_16 : vector<256xf32> to vector<1x256xf32>
    %reduce_sum3A_18 = arith.constant dense<0.000000e+00> : vector<1xf32>
    %reduce_sum3A_19 = vector.multi_reduction <add>, %reduce_sum3A_17, %reduce_sum3A_18 [1] : vector<1x256xf32> to vector<1xf32>
    %reduce_sum3A_20 = vector.shape_cast %reduce_sum3A_19 : vector<1xf32> to vector<1x1xf32>
    %reduce_sum3A_21 = vector.extract %reduce_sum3A_20[0, 0] : f32 from vector<1x1xf32>
    %neg3A = arith.constant 0.000000e+00 : f32
    %neg3A_22 = arith.subf %neg3A, %reduce_sum3A_21 : f32
    %sub3A = arith.constant 8.000000e+00 : f32
    %sub3A_23 = arith.subf %sub3A, %neg3A_22 : f32
    %mul3A_24 = arith.constant 1.600000e+01 : f32
    %mul3A_25 = arith.mulf %mul3A_24, %sub3A_23 : f32
    %reshape3A = vector.broadcast %mul3A_25 : f32 to vector<1x1xf32>
    %swap3A = arith.constant 0 : index
    %swap3A_26 = arith.constant 0 : index
    %swap3A_27 = vector.load %arg1[%swap3A, %swap3A_26] : memref<1x1xf32, #tpu.memory_space<vmem>>, vector<1x1xf32>
    tpu.vector_store %arg1[%swap3A, %swap3A_26], %reshape3A {strides = array<i32>} : memref<1x1xf32, #tpu.memory_space<vmem>>, vector<1x1xf32>,
    return
  }
}

</mosaic_0001>

<sc_bundles>
// kernel: kernel.4.cloned.1.call-start
scs
__scs_entry_jumppad:
0x0: {  	(pc) =	sbr.rel $0x88, $3  }
0x1: {  	(tag) =	ssettag $0x0;
	lr =	simm.s32 $0x1  }
0x2: {  	[smem:$0x3FA0] =	sst lr;
	_ =	strace $0xD0000000  }
0x3: {  	_ = 	snop  }
0x4: {  	_ = 	snop  }
0x5: {  	_ = 	snop  }
0x6: {  	_ = 	snop  }
0x7: {  	_ = 	snop  }
__scs_overlays_trampoline_lowered:
0x8: {  	[smem:$0x3FAF] =	sst s0  }
0x9: {  	[smem:$0x3FB0] =	sst s1  }
0xa: {  	[smem:$0x3FB1] =	sst s2  }
0xb: {  	[smem:$0x3FB2] =	sst s3  }
0xc: {  	[smem:$0x3FB3] =	sst s4  }
0xd: {  	[smem:$0x3FB4] =	sst s5  }
0xe: {  	[smem:$0x3FB5] =	sst s6  }
0xf: {  	[smem:$0x3FB6] =	sst s7  }
0x10: {  	[smem:$0x3FB7] =	sst s8  }
0x11: {  	[smem:$0x3FB8] =	sst s9;
	s0 =	simm.s32 @!p0 $0x0  }
0x12: {  	s1 =	sld [smem:$0x3F9E];
	s0 =	simm.s32 @p0 $0x1  }
0x13: {  	[smem:$0x3FB9] =	sst s0;
	s0 =	simm.s32 @!p1 $0x0  }
0x14: {  	s2 =	sld [smem:$0x3F9D];
	s0 =	simm.s32 @p1 $0x1  }
0x15: {  	[smem:$0x3FBA] =	sst s0;
	s0 =	simm.s32 @!p2 $0x0  }
0x16: {  	s3 =	sld [smem:$0x3FDB];
	s0 =	simm.s32 @p2 $0x1  }
0x17: {  	s4 =	simm.s32 $0x1BF5;
	[smem:$0x3FBC] =	sst s0  }
0x18: {  	s0 =	sld [smem:$0x3F9F];
	_ =	swait.ge [sflag:s4], $0x0  }
0x19: {  	s7 =	sld [smem:$0x3FA0]  }
0x1a: {  	s8 =	sadd.s32 $0xFFFFE003, lr  }
0x1b: {  	s9 =	sadd.s32 $0xFFFFFEF7, lr;
	s5 =	simm.s32 $0xFFFFFFFF;
	p2 =	slt.u32 s8, $0xFFFFF086  }
0x1c: {  	p1 =	slt.u32 s9, $0xF7A;
	s5 =	simm.s32 @!p2 $0x0  }
0x1d: {  	s5 =	simm.s32 @p1 $0x1;
	p0 =	seq.s32 s7, s2  }
0x1e: {  	s7 =	smul.u32 @!p0 $0xF7A, s2;
	p2 =	seq.s32 @!p0 s5, $0x0  }
0x1f: {  	s9 =	smul.u32 $0xF7A, s1;
	s8 =	simm.s32 @!p0 $0x1BF5;
	p2 =	por !p2, p0  }
0x20: {  	[sflag:s8] =	ssyncset.s32 @!p0 $0xFFFFF086;
	s6 =	sadd.s32 @!p0 s3, s7;
	s7 =	simm.s32 @!p0 $0x108  }
0x21: {  	s3 =	sadd.s32 s3, s9;
	s6 =	sadd.s32 @!p0 $0x88, s6;
	s7 =	simm.s32 @p2 $0x1082  }
0x22: {  	[simem:s7], [sflag:s8] =	dma.local @!p0 [hbm:s6], $0xF7A  }
0x23: {  	s9 =	sor.u32 $0xD0000000, s2;
	s6 =	simm.s32 $0x108;
	_ =	swait.ge @!p0 [sflag:s8], $0x0  }
0x24: {  	s3 =	sadd.s32 $0x88, s3;
	s6 =	simm.s32 @!p1 $0x1082;
	[sflag:s4] =	ssyncset.s32 $0xFFFFF086  }
0x25: {  	[simem:s6], [sflag:s4] =	dma.local [hbm:s3], $0xF7A  }
0x26: {  	[smem:$0x3FA0] =	sst s1;
	(tag) =	ssettag s2;
	_ =	strace s9  }
0x27: {  	s1 =	sld [smem:$0x3FB0]  }
0x28: {  	s2 =	sld [smem:$0x3FB1]  }
0x29: {  	s4 =	sld [smem:$0x3FB3]  }
0x2a: {  	p0 =	seq.s32 s5, $0x0;
	s5 =	sld [smem:$0x3FB4]  }
0x2b: {  	s6 =	sld [smem:$0x3FB5]  }
0x2c: {  	s7 =	sld [smem:$0x3FB6]  }
0x2d: {  	s3 =	simm.s32 $0x108;
	s8 =	sld [smem:$0x3FB7]  }
0x2e: {  	s3 =	simm.s32 @!p0 $0x1082;
	s9 =	sld [smem:$0x3FB8]  }
0x2f: {  	lr =	sadd.s32 s0, s3;
	s0 =	sld [smem:$0x3FAF]  }
0x30: {  	s3 =	sld [smem:$0x3FB2]  }
0x31: {  	[smem:$0x3FBB] =	sst s10  }
0x32: {  	s10 =	sld [smem:$0x3FB9];
	_ =	sdelay $0x3  }
0x33: {  	p0 =	seq.s32 s10, $0x1;
	s10 =	sld [smem:$0x3FBB];
	_ =	sdelay $0x3  }
0x34: {  	[smem:$0x3FBB] =	sst s10  }
0x35: {  	s10 =	sld [smem:$0x3FBA];
	_ =	sdelay $0x3  }
0x36: {  	p1 =	seq.s32 s10, $0x1;
	s10 =	sld [smem:$0x3FBB];
	_ =	sdelay $0x3  }
0x37: {  	[smem:$0x3FBB] =	sst s10  }
0x38: {  	s10 =	sld [smem:$0x3FBC]  }
0x39: {  	_ = 	snop;
	(pc) =	sbr.ind lr, $3  }
0x3a: {  	_ = 	snop  }
0x3b: {  	_ = 	snop  }
0x3c: {  	p2 =	seq.s32 s10, $0x1;
	s10 =	sld [smem:$0x3FBB]  }
0x3d: {  	_ =	shalt  }
0x3e: {  	_ =	shalt  }
0x3f: {  	_ =	shalt  }
0x40: {  	_ =	shalt  }
0x41: {  	_ =	shalt  }
0x42: {  	_ =	shalt  }
0x43: {  	_ =	shalt  }
0x44: {  	_ =	shalt  }
0x45: {  	_ =	shalt  }
0x46: {  	_ =	shalt  }
0x47: {  	_ =	shalt  }
0x48: {  	_ =	shalt  }
0x49: {  	_ =	shalt  }
0x4a: {  	_ =	shalt  }
0x4b: {  	_ =	shalt  }
0x4c: {  	_ =	shalt  }
0x4d: {  	_ =	shalt  }
0x4e: {  	_ =	shalt  }
0x4f: {  	_ =	shalt  }
0x50: {  	_ =	shalt  }
0x51: {  	_ =	shalt  }
0x52: {  	_ =	shalt  }
0x53: {  	_ =	shalt  }
0x54: {  	_ =	shalt  }
0x55: {  	_ =	shalt  }
0x56: {  	_ =	shalt  }
0x57: {  	_ =	shalt  }
0x58: {  	_ =	shalt  }
0x59: {  	_ =	shalt  }
0x5a: {  	_ =	shalt  }
0x5b: {  	_ =	shalt  }
0x5c: {  	_ =	shalt  }
0x5d: {  	_ =	shalt  }
0x5e: {  	_ =	shalt  }
0x5f: {  	_ =	shalt  }
0x60: {  	_ =	shalt  }
0x61: {  	_ =	shalt  }
0x62: {  	_ =	shalt  }
0x63: {  	_ =	shalt  }
0x64: {  	_ =	shalt  }
0x65: {  	_ =	shalt  }
0x66: {  	_ =	shalt  }
0x67: {  	_ =	shalt  }
0x68: {  	_ =	shalt  }
0x69: {  	_ =	shalt  }
0x6a: {  	_ =	shalt  }
0x6b: {  	_ =	shalt  }
0x6c: {  	_ =	shalt  }
0x6d: {  	_ =	shalt  }
0x6e: {  	_ =	shalt  }
0x6f: {  	_ =	shalt  }
0x70: {  	_ =	shalt  }
0x71: {  	_ =	shalt  }
0x72: {  	_ =	shalt  }
0x73: {  	_ =	shalt  }
0x74: {  	_ =	shalt  }
0x75: {  	_ =	shalt  }
0x76: {  	_ =	shalt  }
0x77: {  	_ =	shalt  }
0x78: {  	_ =	shalt  }
0x79: {  	_ =	shalt  }
0x7a: {  	_ =	shalt  }
0x7b: {  	_ =	shalt  }
0x7c: {  	_ =	shalt  }
0x7d: {  	_ =	shalt  }
0x7e: {  	_ =	shalt  }
0x7f: {  	_ =	shalt  }
0x80: {  	_ =	shalt  }
0x81: {  	_ =	shalt  }
0x82: {  	_ =	shalt  }
0x83: {  	_ =	shalt  }
0x84: {  	_ =	shalt  }
0x85: {  	_ =	shalt  }
0x86: {  	_ =	shalt  }
0x87: {  	_ =	shalt  }
.Lfunc_end0:
.L_simem_size_0:
called_computation_lowered:
.L_overlay_start_0:
0x88: {  	s2 =	sld [smem:$0x3FD9]  }
0x89: {  	s3 =	sld [smem:$0x3FFE];
	_ =	sdelay $0x1  }
0x8a: {  	s1 =	srdreg.scid  }
0x8b: {  	s0 =	sand.u32 $0x1, s1  }
0x8c: {  	s17 =	sshll.u32 s0, $0xA;
	s2 =	sadd.s32 s3, s2  }
0x8d: {  	s2 =	sadd.s32 s2, s17  }
0x8e: {  	[smem:$0x3FC7] =	sst s2  }
0x8f: {  	_ = 	snop  }
0x90: {  	s2 =	sld [smem:$0x3FC9];
	(tm) =	ssettm $0x1  }
0x91: {  	s18 =	sld [smem:$0x3FFB];
	_ =	sdelay $0x3  }
0x92: {  	_ =	strace s18  }
0x93: {  	s3 =	sld [smem:$0x3FFC];
	_ =	sdelay $0x3  }
0x94: {  	_ =	strace s3  }
0x95: {  	s3 =	sld [smem:$0x3FFD];
	_ =	sdelay $0x3  }
0x96: {  	_ =	strace s3  }
0x97: {  	_ =	strace $0x8FFFFFFF  }
0x98: {  	s19 =	sld [smem:$0x3FDB];
	_ =	sdelay $0x1  }
0x99: {  	s4 =	simm.s32 $_scs_section_size  }
0x9a: {  	s5 =	simm.s32 $_size__tile_overlayer_lowered;
	s6 =	simm.s32 $_tile_overlayer_lowered  }
0x9b: {  	s22 =	simm.s32 $0x1BFF;
	s21 =	sshll.u32 s6, $0x1;
	s3 =	sadd.s32 s4, s19  }
0x9c: {  	s7 =	simm.s32 $0x0;
	s20 =	sshll.u32 s5, $0x1;
	s5 =	sadd.s32 s21, s3  }
0x9d: {  	[timem:s7], [sflag:s22] =	dma.local [hbm:s5], s20  }
0x9e: {  	_ =	swait.ge [sflag:s22], s20  }
0x9f: {  	s4 =	ssub.s32 $0x0, s20;
	[sflag:s22] =	ssyncset.done $0x0  }
0xa0: {  	[sflag:s22] =	ssyncadd.s32 s4;
	_ =	sdelay $0x1  }
0xa1: {  	s23 =	simm.s32 $0x1B8B  }
0xa2: {  	_ =	swait.ge [sflag:s23], $0x1  }
0xa3: {  	[sflag:s23] =	ssyncset.done $0x0  }
0xa4: {  	s25 =	simm.s32 $0x1B8E;
	s24 =	sld [smem:$0x3FFE];
	[sflag:s23] =	ssyncadd.s32 $0xFFFFFFFF  }
0xa5: {  	s26 =	simm.s32 $execute0_lowered;
	[smem:$0x3FD2] =	sst s25  }
0xa6: {  	s5 =	sshll.u32 s26, $0x1;
	_ =	strace $0x80000046;
	[dreg:$0x1] =	wrdreg $0xFFFFFFFF  }
0xa7: {  	s28 =	simm.s32 $_size_execute0_lowered;
	s3 =	sadd.s32 s3, s5;
	[dreg:$0x0] =	wrdreg $0x0  }
0xa8: {  	s5 =	sshll.u32 s28, $0x1;
	[dreg:$0x2] =	wrdreg s3  }
0xa9: {  	[dreg:$0x3] =	wrdreg s5  }
0xaa: {  	[dreg:$0x4] =	wrdreg $0xC0  }
0xab: {  	_ =	task [dreg:s7], $0x5FFFF  }
0xac: {  	[dreg:$0x1] =	wrdreg $0xFFFFFFFF  }
0xad: {  	[dreg:$0x0] =	wrdreg $0x60  }
0xae: {  	[dreg:$0x2] =	wrdreg s2  }
0xaf: {  	[dreg:$0x3] =	wrdreg s24  }
0xb0: {  	[dreg:$0x4] =	wrdreg $0x9  }
0xb1: {  	_ =	task.clear_ibuf [dreg:s7], $0x5FFFF;
	_ =	strace $0x90000046  }
0xb2: {  	s29 =	simm.s32 $0x9;
	_ =	strace $0x80000048  }
0xb3: {  	_ =	swait.ge [sflag:s29], $0x1  }
0xb4: {  	[sflag:s29] =	ssyncadd.s32 $0xFFFFFFFF  }
0xb5: {  	_ =	strace $0x90000048  }
0xb6: {  	_ =	sfence  }
0xb7: {  	s30 =	sld [smem:$0x0];
	_ =	sdelay $0x2  }
0xb8: {  	s31 =	sshll.u32 s1, $0xD;
	s1 =	sshrl.u32 s1, $0x2  }
0xb9: {  	s3 =	sand.u32 $0x4000, s31;
	s1 =	sadd.s32 s1, s30  }
0xba: {  	s0 =	sor.u32 s3, s0;
	s1 =	sshll.u32 s1, $0x11  }
0xbb: {  	s0 =	sor.u32 s1, s0  }
0xbc: {  	s0 =	sadd.s32 $0x8F2B, s0  }
0xbd: {  	[sflag:s0] =	ssyncadd.remote.s32 $0x1  }
0xbe: {  	_ =	sfence.sel $0xFFFF  }
0xbf: {  	[dreg:$0x0] =	wrdreg $0xFFFFFFFF;
	(pc) =	sbr.abs _section_cstart, $3  }
0xc0: {  	[dreg:$0x1] =	wrdreg $0xFFFFFFFF  }
0xc1: {  	_ =	task.clear_ibuf [dreg:s7], $0x2FFFF;
	_ =	strace $0x9FFFFFFF  }
0xc2: {  	(tm) =	ssettm $0x7FFFFFFF  }
0xc3: {  	_ =	shalt  }
tec
execute0_lowered:
.L_overlay_start_1:
0x0: {  	(tag) =	ssettag $0x1  }
0x1: {  	v0 =	vimm.f32 $8.392448000e+06;
	vm0 =	vcmask $0x300  }
0x2: {  	vm14 =	vcmask $0x704;
	v0 =	vsel vm0, $0x4B000000, v0  }
0x3: {  	s3 =	rddreg [dreg:$0x0];
	vm15 =	vcmask $0xB08;
	v0 =	vsel vm14, $0x4B000100, v0  }
0x4: {  	s4 =	rddreg [dreg:$0x1];
	s2 =	simm.s32 $0x0;
	vm4 =	vcmask $0xF0C;
	v0 =	vsel vm15, $0x4B000200, v0  }
0x5: {  	s1 =	stileid.u32;
	s5 =	srdreg.scid;
	vm5 =	vcmask $0x1310;
	s13 =	simm.s32 $0x4000;
	v0 =	vsel vm4, $0x4B000300, v0  }
0x6: {  	vm6 =	vcmask $0x1714;
	s14 =	simm.s32 $0x1;
	s15 =	simm.s32 $0x8000;
	s16 =	simm.s32 $0x2;
	v0 =	vsel vm5, $0x4B000400, v0  }
0x7: {  	vm7 =	vcmask $0x1B18;
	s17 =	simm.s32 $0x80;
	s18 =	simm.s32 $0x400;
	s19 =	simm.s32 $0x9000;
	v0 =	vsel vm6, $0x4B000500, v0  }
0x8: {  	vm8 =	vcmask $0x1F1C;
	s20 =	simm.s32 $0x3;
	s21 =	simm.s32 $0x0;
	[smem:$0x7FF] =	sst s2;
	v0 =	vsel vm7, $0x4B000600, v0  }
0x9: {  	vm9 =	vcmask $0x2320;
	s5 =	sand.u32 $0x1, s5;
	s6 =	sshll.u32 s1, $0x1;
	s30 =	sshll.u32 s1, $0x6;
	v0 =	vsel vm8, $0x4B000700, v0  }
0xa: {  	vm10 =	vcmask $0x2724;
	_ =	strace $0x80000047;
	s7 =	sor.u32 s5, s6;
	s6 =	sand.u32 $0x300, s30;
	v0 =	vsel vm9, $0x4B000800, v0  }
0xb: {  	vm11 =	vcmask $0x2B28;
	s9 =	ssub.s32 $0x2, s5;
	s8 =	sshll.u32 s7, $0xE;
	s10 =	sadd.s32 s6, s4;
	v0 =	vsel vm10, $0x4B000900, v0  }
0xc: {  	vm12 =	vcmask $0x2F2C;
	s31 =	sshrl.u32 s9, $0x1;
	s11 =	sshll.u32 s7, $0x4;
	s3 =	sadd.s32 s3, s8;
	v0 =	vsel vm11, $0x4B000A00, v0  }
0xd: {  	vm13 =	vcmask $0x3330;
	s12 =	ssub.s32 s9, s31;
	s11 =	sand.u32 $0x70, s11;
	s4 =	sadd.s32 $0x800, s3;
	v0 =	vsel vm12, $0x4B000B00, v0  }
0xe: {  	vm14 =	vcmask $0x3734;
	s5 =	sadd.s32 $0x1000, s3;
	s6 =	sadd.s32 $0x1800, s3;
	s7 =	sadd.s32 $0x2000, s3;
	v0 =	vsel vm13, $0x4B000C00, v0  }
0xf: {  	vm15 =	vcmask $0x3B38;
	s8 =	sadd.s32 $0x2800, s3;
	s9 =	sadd.s32 $0x3000, s3;
	s11 =	sadd.s32 s11, s10;
	v1 =	vsel vm14, $0x4B000D00, v0  }
0x10: {  	v2 =	vimm.f32 $1.000000000e+00;
	s10 =	sadd.s32 $0x3800, s3;
	s12 =	smax.u32 s12, $0x1;
	s11 =	sadd.s32 $0x600, s11;
	v0 =	vimm.f32 $0.0e+00;
	v1 =	vsel vm15, $0x4B000E00, v1  }
.LBB2_1:
0x11: {  	[tilespmem:s2], [sflag:$0x1] =	stream.linear.gather [hbm4b:s3+s2], $0x4000, $0x38;
	[tilespmem:$0x9100] =	vst v63  }
0x12: {  	s22 =	simm.s32 $0x8020  }
0x13: {  	[tilespmem:s13], [sflag:$0x2] =	stream.linear.gather [hbm4b:s4+s2], $0x4000, $0x38;
	[tilespmem:$0x9100] =	vst v63  }
0x14: {  	[tilespmem:s22+$0xFFFFFFE0] =	vst v0  }
0x15: {  	[tilespmem:s22+$0x10] =	vst v0  }
0x16: {  	s23 =	simm.s32 $0x0;
	[tilespmem:s22+$0x0] =	vst v0  }
.LBB2_2:
0x17: {  	s23 =	sadd.s32 $0x4, s23  }
0x18: {  	[tilespmem:s22+$0xFFFFFFF0] =	vst v0;
	s22 =	sadd.s32 $0x40, s22;
	p0 =	slt.u32 s23, $0xFC  }
.Ltmp0:
0x19: {  	[tilespmem:s22+$0xFFFFFFE0] =	vst v0;
	(pc) =	sbr.rel @p0 .LBB2_2-.Ltmp0, $3  }
0x1a: {  	_ =	sdelay $0x1  }
0x1b: {  	[tilespmem:s22+$0x10] =	vst v0  }
0x1c: {  	[tilespmem:s22+$0x0] =	vst v0  }
0x1d: {  	[tilespmem:s22+$0xFFFFFFF0] =	vst v0;
	s31 =	simm.s32 $0x0  }
0x1e: {  	_ =	swait.ge [sflag:s14], $0x4000;
	s23 =	sand.u32 $0x3000, s31;
	s24 =	sand.u32 $0xC00, s31  }
0x1f: {  	s22 =	sand.u32 $0x380, s31;
	[sflag:s14] =	ssyncset.done $0x0;
	s23 =	sor.u32 s24, s23  }
0x20: {  	[sflag:s14] =	ssyncadd.s32 $0xFFFFC000;
	s22 =	sor.u32 s22, s23  }
0x21: {  	v3 =	vld [tilespmem:s22+$0x70]  }
0x22: {  	v4 =	vld [tilespmem:s22+$0x0]  }
0x23: {  	v5 =	vld [tilespmem:s22+$0x10]  }
0x24: {  	v6 =	vld [tilespmem:s22+$0x20]  }
0x25: {  	v7 =	vld [tilespmem:s22+$0x30]  }
0x26: {  	v3 =	vadd.f32 v1, v3  }
0x27: {  	v8 =	vld [tilespmem:s22+$0x40]  }
0x28: {  	v9 =	vld [tilespmem:s22+$0x50];
	v11 =	vadd.s32 $0xB5000000, v3;
	v3 =	vadd.f32 v1, v4  }
0x29: {  	v10 =	vld [tilespmem:s22+$0x60];
	v4 =	vadd.f32 v1, v5  }
0x2a: {  	v12 =	vadd.f32 v1, v7;
	v5 =	vadd.f32 v1, v6;
	v7 =	vadd.s32 $0xB5000000, v3  }
0x2b: {  	v6 =	vadd.s32 $0xB5000000, v4  }
0x2c: {  	v8 =	vadd.f32 v1, v8;
	v5 =	vadd.s32 $0xB5000000, v5  }
0x2d: {  	s25 =	simm.s32 $0x80;
	v9 =	vadd.f32 v1, v9  }
0x2e: {  	s24 =	simm.s32 $0x400;
	s23 =	simm.s32 $0x20;
	s22 =	simm.s32 $0x0;
	v3 =	vadd.s32 $0xB5000000, v12;
	v4 =	vadd.s32 $0xB5000000, v8;
	v8 =	vadd.f32 v1, v10;
	[tilespmem:v11+s15+$0x0] =	vst.idx.add.f32.msk $0xffff, v2  }
.LBB2_4:
0x2f: {  	s26 =	sand.u32 $0x3000, s25;
	s28 =	sand.u32 $0xC00, s24;
	s22 =	sadd.s32 $0x8, s22;
	[tilespmem:v7+s15+$0x0] =	vst.idx.add.f32.msk $0xffff, v2;
	v9 =	vadd.s32 $0xB5000000, v9  }
0x30: {  	s29 =	sand.u32 $0x380, s23;
	s26 =	sor.u32 s28, s26;
	p0 =	slt.u32 s22, $0x3F8;
	[tilespmem:v6+s15+$0x0] =	vst.idx.add.f32.msk $0xffff, v2;
	v8 =	vadd.s32 $0xB5000000, v8  }
0x31: {  	s26 =	sor.u32 s29, s26;
	[tilespmem:v5+s15+$0x0] =	vst.idx.add.f32.msk $0xffff, v2  }
0x32: {  	v5 =	vld [tilespmem:s26+$0x70]  }
0x33: {  	v6 =	vld [tilespmem:s26+$0x0]  }
0x34: {  	v7 =	vld [tilespmem:s26+$0x10]  }
0x35: {  	v10 =	vld [tilespmem:s26+$0x20]  }
0x36: {  	v11 =	vld [tilespmem:s26+$0x30]  }
0x37: {  	v12 =	vld [tilespmem:s26+$0x40];
	v5 =	vadd.f32 v1, v5  }
0x38: {  	v6 =	vadd.f32 v1, v6;
	v13 =	vld [tilespmem:s26+$0x50]  }
0x39: {  	v14 =	vadd.f32 v1, v7;
	v15 =	vld [tilespmem:s26+$0x60];
	v16 =	vadd.s32 $0xB5000000, v5  }
.Ltmp1:
0x3a: {  	v7 =	vadd.s32 $0xB5000000, v6;
	v5 =	vadd.f32 v1, v10;
	[tilespmem:v3+s15+$0x0] =	vst.idx.add.f32.msk $0xffff, v2;
	(pc) =	sbr.rel @p0 .LBB2_4-.Ltmp1, $4  }
0x3b: {  	v6 =	vadd.s32 $0xB5000000, v14;
	v3 =	vadd.f32 v1, v11;
	[tilespmem:v4+s15+$0x0] =	vst.idx.add.f32.msk $0xffff, v2  }
0x3c: {  	v5 =	vadd.s32 $0xB5000000, v5;
	v4 =	vadd.f32 v1, v12;
	[tilespmem:v9+s15+$0x0] =	vst.idx.add.f32.msk $0xffff, v2  }
0x3d: {  	v3 =	vadd.s32 $0xB5000000, v3;
	v9 =	vadd.f32 v1, v13;
	[tilespmem:v8+s15+$0x0] =	vst.idx.add.f32.msk $0xffff, v2  }
0x3e: {  	s23 =	sadd.s32 $0x20, s23;
	s24 =	sadd.s32 $0x400, s24;
	s25 =	sadd.s32 $0x80, s25;
	v4 =	vadd.s32 $0xB5000000, v4;
	v8 =	vadd.f32 v1, v15;
	[tilespmem:v16+s15+$0x0] =	vst.idx.add.f32.msk $0xffff, v2  }
0x3f: {  	_ =	sdelay $0x3  }
0x40: {  	[tilespmem:v7+s15+$0x0] =	vst.idx.add.f32.msk $0xffff, v2;
	v7 =	vadd.s32 $0xB5000000, v9  }
0x41: {  	[tilespmem:v6+s15+$0x0] =	vst.idx.add.f32.msk $0xffff, v2;
	v6 =	vadd.s32 $0xB5000000, v8  }
0x42: {  	[tilespmem:v5+s15+$0x0] =	vst.idx.add.f32.msk $0xffff, v2  }
0x43: {  	[tilespmem:v3+s15+$0x0] =	vst.idx.add.f32.msk $0xffff, v2  }
0x44: {  	[tilespmem:v4+s15+$0x0] =	vst.idx.add.f32.msk $0xffff, v2  }
0x45: {  	[tilespmem:v7+s15+$0x0] =	vst.idx.add.f32.msk $0xffff, v2  }
0x46: {  	s22 =	simm.s32 $0x0;
	[tilespmem:v6+s15+$0x0] =	vst.idx.add.f32.msk $0xffff, v2  }
0x47: {  	[tilespmem:s22], [sflag:$0x1] =	stream.linear.gather [hbm4b:s5+s22], $0x4000, $0x38;
	[tilespmem:$0x9100] =	vst v63  }
0x48: {  	s23 =	sand.u32 $0x3000, s22;
	s24 =	sand.u32 $0xC00, s22;
	_ =	swait.ge [sflag:s16], $0x4000  }
0x49: {  	s23 =	sor.u32 s24, s23;
	s22 =	sand.u32 $0x380, s22;
	[sflag:s16] =	ssyncset.done $0x0  }
0x4a: {  	s22 =	sor.u32 s22, s23;
	[sflag:s16] =	ssyncadd.s32 $0xFFFFC000  }
0x4b: {  	v3 =	vld [tilespmem:s22+$0x4070]  }
0x4c: {  	v4 =	vld [tilespmem:s22+$0x4000]  }
0x4d: {  	v5 =	vld [tilespmem:s22+$0x4010]  }
0x4e: {  	v6 =	vld [tilespmem:s22+$0x4020]  }
0x4f: {  	v7 =	vld [tilespmem:s22+$0x4030]  }
0x50: {  	v3 =	vadd.f32 v1, v3  }
0x51: {  	v8 =	vld [tilespmem:s22+$0x4040]  }
0x52: {  	v9 =	vld [tilespmem:s22+$0x4050];
	v11 =	vadd.s32 $0xB5000000, v3;
	v3 =	vadd.f32 v1, v4  }
0x53: {  	v10 =	vld [tilespmem:s22+$0x4060];
	v4 =	vadd.f32 v1, v5  }
0x54: {  	v12 =	vadd.f32 v1, v7;
	v5 =	vadd.f32 v1, v6;
	v7 =	vadd.s32 $0xB5000000, v3  }
0x55: {  	v6 =	vadd.s32 $0xB5000000, v4  }
0x56: {  	v8 =	vadd.f32 v1, v8;
	v5 =	vadd.s32 $0xB5000000, v5  }
0x57: {  	s25 =	simm.s32 $0x80;
	v9 =	vadd.f32 v1, v9  }
0x58: {  	s24 =	simm.s32 $0x400;
	s23 =	simm.s32 $0x20;
	s22 =	simm.s32 $0x0;
	v3 =	vadd.s32 $0xB5000000, v12;
	v4 =	vadd.s32 $0xB5000000, v8;
	v8 =	vadd.f32 v1, v10;
	[tilespmem:v11+s15+$0x0] =	vst.idx.add.f32.msk $0xffff, v2  }
.LBB2_6:
0x59: {  	s26 =	sand.u32 $0x3000, s25;
	s28 =	sand.u32 $0xC00, s24;
	s22 =	sadd.s32 $0x8, s22;
	[tilespmem:v7+s15+$0x0] =	vst.idx.add.f32.msk $0xffff, v2;
	v9 =	vadd.s32 $0xB5000000, v9  }
0x5a: {  	s29 =	sand.u32 $0x380, s23;
	s26 =	sor.u32 s28, s26;
	p0 =	slt.u32 s22, $0x3F8;
	[tilespmem:v6+s15+$0x0] =	vst.idx.add.f32.msk $0xffff, v2;
	v8 =	vadd.s32 $0xB5000000, v8  }
0x5b: {  	s26 =	sor.u32 s29, s26;
	[tilespmem:v5+s15+$0x0] =	vst.idx.add.f32.msk $0xffff, v2  }
0x5c: {  	v5 =	vld [tilespmem:s26+$0x4070]  }
0x5d: {  	v6 =	vld [tilespmem:s26+$0x4000]  }
0x5e: {  	v7 =	vld [tilespmem:s26+$0x4010]  }
0x5f: {  	v10 =	vld [tilespmem:s26+$0x4020]  }
0x60: {  	v11 =	vld [tilespmem:s26+$0x4030]  }
0x61: {  	v12 =	vld [tilespmem:s26+$0x4040];
	v5 =	vadd.f32 v1, v5  }
0x62: {  	v6 =	vadd.f32 v1, v6;
	v13 =	vld [tilespmem:s26+$0x4050]  }
0x63: {  	v14 =	vadd.f32 v1, v7;
	v15 =	vld [tilespmem:s26+$0x4060];
	v16 =	vadd.s32 $0xB5000000, v5  }
.Ltmp2:
0x64: {  	v7 =	vadd.s32 $0xB5000000, v6;
	v5 =	vadd.f32 v1, v10;
	[tilespmem:v3+s15+$0x0] =	vst.idx.add.f32.msk $0xffff, v2;
	(pc) =	sbr.rel @p0 .LBB2_6-.Ltmp2, $4  }
0x65: {  	v6 =	vadd.s32 $0xB5000000, v14;
	v3 =	vadd.f32 v1, v11;
	[tilespmem:v4+s15+$0x0] =	vst.idx.add.f32.msk $0xffff, v2  }
0x66: {  	v5 =	vadd.s32 $0xB5000000, v5;
	v4 =	vadd.f32 v1, v12;
	[tilespmem:v9+s15+$0x0] =	vst.idx.add.f32.msk $0xffff, v2  }
0x67: {  	v3 =	vadd.s32 $0xB5000000, v3;
	v9 =	vadd.f32 v1, v13;
	[tilespmem:v8+s15+$0x0] =	vst.idx.add.f32.msk $0xffff, v2  }
0x68: {  	s23 =	sadd.s32 $0x20, s23;
	s24 =	sadd.s32 $0x400, s24;
	s25 =	sadd.s32 $0x80, s25;
	v4 =	vadd.s32 $0xB5000000, v4;
	v8 =	vadd.f32 v1, v15;
	[tilespmem:v16+s15+$0x0] =	vst.idx.add.f32.msk $0xffff, v2  }
0x69: {  	_ =	sdelay $0x3  }
0x6a: {  	[tilespmem:v7+s15+$0x0] =	vst.idx.add.f32.msk $0xffff, v2;
	v7 =	vadd.s32 $0xB5000000, v9  }
0x6b: {  	[tilespmem:v6+s15+$0x0] =	vst.idx.add.f32.msk $0xffff, v2;
	v6 =	vadd.s32 $0xB5000000, v8  }
0x6c: {  	[tilespmem:v5+s15+$0x0] =	vst.idx.add.f32.msk $0xffff, v2  }
0x6d: {  	[tilespmem:v3+s15+$0x0] =	vst.idx.add.f32.msk $0xffff, v2  }
0x6e: {  	[tilespmem:v4+s15+$0x0] =	vst.idx.add.f32.msk $0xffff, v2  }
0x6f: {  	[tilespmem:v7+s15+$0x0] =	vst.idx.add.f32.msk $0xffff, v2  }
0x70: {  	s22 =	simm.s32 $0x0;
	[tilespmem:v6+s15+$0x0] =	vst.idx.add.f32.msk $0xffff, v2  }
0x71: {  	[tilespmem:s13], [sflag:$0x2] =	stream.linear.gather [hbm4b:s6+s22], $0x4000, $0x38;
	[tilespmem:$0x9100] =	vst v63  }
0x72: {  	s23 =	sand.u32 $0x3000, s22;
	s24 =	sand.u32 $0xC00, s22;
	_ =	swait.ge [sflag:s14], $0x4000  }
0x73: {  	s23 =	sor.u32 s24, s23;
	s22 =	sand.u32 $0x380, s22;
	[sflag:s14] =	ssyncset.done $0x0  }
0x74: {  	s22 =	sor.u32 s22, s23;
	[sflag:s14] =	ssyncadd.s32 $0xFFFFC000  }
0x75: {  	v3 =	vld [tilespmem:s22+$0x70]  }
0x76: {  	v4 =	vld [tilespmem:s22+$0x0]  }
0x77: {  	v5 =	vld [tilespmem:s22+$0x10]  }
0x78: {  	v6 =	vld [tilespmem:s22+$0x20]  }
0x79: {  	v7 =	vld [tilespmem:s22+$0x30]  }
0x7a: {  	v3 =	vadd.f32 v1, v3  }
0x7b: {  	v8 =	vld [tilespmem:s22+$0x40]  }
0x7c: {  	v9 =	vld [tilespmem:s22+$0x50];
	v11 =	vadd.s32 $0xB5000000, v3;
	v3 =	vadd.f32 v1, v4  }
0x7d: {  	v10 =	vld [tilespmem:s22+$0x60];
	v4 =	vadd.f32 v1, v5  }
0x7e: {  	v12 =	vadd.f32 v1, v7;
	v5 =	vadd.f32 v1, v6;
	v7 =	vadd.s32 $0xB5000000, v3  }
0x7f: {  	v6 =	vadd.s32 $0xB5000000, v4  }
0x80: {  	v8 =	vadd.f32 v1, v8;
	v5 =	vadd.s32 $0xB5000000, v5  }
0x81: {  	s25 =	simm.s32 $0x80;
	v9 =	vadd.f32 v1, v9  }
0x82: {  	s24 =	simm.s32 $0x400;
	s23 =	simm.s32 $0x20;
	s22 =	simm.s32 $0x0;
	v3 =	vadd.s32 $0xB5000000, v12;
	v4 =	vadd.s32 $0xB5000000, v8;
	v8 =	vadd.f32 v1, v10;
	[tilespmem:v11+s15+$0x0] =	vst.idx.add.f32.msk $0xffff, v2  }
.LBB2_8:
0x83: {  	s26 =	sand.u32 $0x3000, s25;
	s28 =	sand.u32 $0xC00, s24;
	s22 =	sadd.s32 $0x8, s22;
	[tilespmem:v7+s15+$0x0] =	vst.idx.add.f32.msk $0xffff, v2;
	v9 =	vadd.s32 $0xB5000000, v9  }
0x84: {  	s29 =	sand.u32 $0x380, s23;
	s26 =	sor.u32 s28, s26;
	p0 =	slt.u32 s22, $0x3F8;
	[tilespmem:v6+s15+$0x0] =	vst.idx.add.f32.msk $0xffff, v2;
	v8 =	vadd.s32 $0xB5000000, v8  }
0x85: {  	s26 =	sor.u32 s29, s26;
	[tilespmem:v5+s15+$0x0] =	vst.idx.add.f32.msk $0xffff, v2  }
0x86: {  	v5 =	vld [tilespmem:s26+$0x70]  }
0x87: {  	v6 =	vld [tilespmem:s26+$0x0]  }
0x88: {  	v7 =	vld [tilespmem:s26+$0x10]  }
0x89: {  	v10 =	vld [tilespmem:s26+$0x20]  }
0x8a: {  	v11 =	vld [tilespmem:s26+$0x30]  }
0x8b: {  	v12 =	vld [tilespmem:s26+$0x40];
	v5 =	vadd.f32 v1, v5  }
0x8c: {  	v6 =	vadd.f32 v1, v6;
	v13 =	vld [tilespmem:s26+$0x50]  }
0x8d: {  	v14 =	vadd.f32 v1, v7;
	v15 =	vld [tilespmem:s26+$0x60];
	v16 =	vadd.s32 $0xB5000000, v5  }
.Ltmp3:
0x8e: {  	v7 =	vadd.s32 $0xB5000000, v6;
	v5 =	vadd.f32 v1, v10;
	[tilespmem:v3+s15+$0x0] =	vst.idx.add.f32.msk $0xffff, v2;
	(pc) =	sbr.rel @p0 .LBB2_8-.Ltmp3, $4  }
0x8f: {  	v6 =	vadd.s32 $0xB5000000, v14;
	v3 =	vadd.f32 v1, v11;
	[tilespmem:v4+s15+$0x0] =	vst.idx.add.f32.msk $0xffff, v2  }
0x90: {  	v5 =	vadd.s32 $0xB5000000, v5;
	v4 =	vadd.f32 v1, v12;
	[tilespmem:v9+s15+$0x0] =	vst.idx.add.f32.msk $0xffff, v2  }
0x91: {  	v3 =	vadd.s32 $0xB5000000, v3;
	v9 =	vadd.f32 v1, v13;
	[tilespmem:v8+s15+$0x0] =	vst.idx.add.f32.msk $0xffff, v2  }
0x92: {  	s23 =	sadd.s32 $0x20, s23;
	s24 =	sadd.s32 $0x400, s24;
	s25 =	sadd.s32 $0x80, s25;
	v4 =	vadd.s32 $0xB5000000, v4;
	v8 =	vadd.f32 v1, v15;
	[tilespmem:v16+s15+$0x0] =	vst.idx.add.f32.msk $0xffff, v2  }
0x93: {  	_ =	sdelay $0x3  }
0x94: {  	[tilespmem:v7+s15+$0x0] =	vst.idx.add.f32.msk $0xffff, v2;
	v7 =	vadd.s32 $0xB5000000, v9  }
0x95: {  	[tilespmem:v6+s15+$0x0] =	vst.idx.add.f32.msk $0xffff, v2;
	v6 =	vadd.s32 $0xB5000000, v8  }
0x96: {  	[tilespmem:v5+s15+$0x0] =	vst.idx.add.f32.msk $0xffff, v2  }
0x97: {  	[tilespmem:v3+s15+$0x0] =	vst.idx.add.f32.msk $0xffff, v2  }
0x98: {  	[tilespmem:v4+s15+$0x0] =	vst.idx.add.f32.msk $0xffff, v2  }
0x99: {  	[tilespmem:v7+s15+$0x0] =	vst.idx.add.f32.msk $0xffff, v2  }
0x9a: {  	s22 =	simm.s32 $0x0;
	[tilespmem:v6+s15+$0x0] =	vst.idx.add.f32.msk $0xffff, v2  }
0x9b: {  	[tilespmem:s22], [sflag:$0x1] =	stream.linear.gather [hbm4b:s7+s22], $0x4000, $0x38;
	[tilespmem:$0x9100] =	vst v63  }
0x9c: {  	s23 =	sand.u32 $0x3000, s22;
	s24 =	sand.u32 $0xC00, s22;
	_ =	swait.ge [sflag:s16], $0x4000  }
0x9d: {  	s23 =	sor.u32 s24, s23;
	s22 =	sand.u32 $0x380, s22;
	[sflag:s16] =	ssyncset.done $0x0  }
0x9e: {  	s22 =	sor.u32 s22, s23;
	[sflag:s16] =	ssyncadd.s32 $0xFFFFC000  }
0x9f: {  	v3 =	vld [tilespmem:s22+$0x4070]  }
0xa0: {  	v4 =	vld [tilespmem:s22+$0x4000]  }
0xa1: {  	v5 =	vld [tilespmem:s22+$0x4010]  }
0xa2: {  	v6 =	vld [tilespmem:s22+$0x4020]  }
0xa3: {  	v7 =	vld [tilespmem:s22+$0x4030]  }
0xa4: {  	v3 =	vadd.f32 v1, v3  }
0xa5: {  	v8 =	vld [tilespmem:s22+$0x4040]  }
0xa6: {  	v9 =	vld [tilespmem:s22+$0x4050];
	v11 =	vadd.s32 $0xB5000000, v3;
	v3 =	vadd.f32 v1, v4  }
0xa7: {  	v10 =	vld [tilespmem:s22+$0x4060];
	v4 =	vadd.f32 v1, v5  }
0xa8: {  	v12 =	vadd.f32 v1, v7;
	v5 =	vadd.f32 v1, v6;
	v7 =	vadd.s32 $0xB5000000, v3  }
0xa9: {  	v6 =	vadd.s32 $0xB5000000, v4  }
0xaa: {  	v8 =	vadd.f32 v1, v8;
	v5 =	vadd.s32 $0xB5000000, v5  }
0xab: {  	s25 =	simm.s32 $0x80;
	v9 =	vadd.f32 v1, v9  }
0xac: {  	s24 =	simm.s32 $0x400;
	s23 =	simm.s32 $0x20;
	s22 =	simm.s32 $0x0;
	v3 =	vadd.s32 $0xB5000000, v12;
	v4 =	vadd.s32 $0xB5000000, v8;
	v8 =	vadd.f32 v1, v10;
	[tilespmem:v11+s15+$0x0] =	vst.idx.add.f32.msk $0xffff, v2  }
.LBB2_10:
0xad: {  	s26 =	sand.u32 $0x3000, s25;
	s28 =	sand.u32 $0xC00, s24;
	s22 =	sadd.s32 $0x8, s22;
	[tilespmem:v7+s15+$0x0] =	vst.idx.add.f32.msk $0xffff, v2;
	v9 =	vadd.s32 $0xB5000000, v9  }
0xae: {  	s29 =	sand.u32 $0x380, s23;
	s26 =	sor.u32 s28, s26;
	p0 =	slt.u32 s22, $0x3F8;
	[tilespmem:v6+s15+$0x0] =	vst.idx.add.f32.msk $0xffff, v2;
	v8 =	vadd.s32 $0xB5000000, v8  }
0xaf: {  	s26 =	sor.u32 s29, s26;
	[tilespmem:v5+s15+$0x0] =	vst.idx.add.f32.msk $0xffff, v2  }
0xb0: {  	v5 =	vld [tilespmem:s26+$0x4070]  }
0xb1: {  	v6 =	vld [tilespmem:s26+$0x4000]  }
0xb2: {  	v7 =	vld [tilespmem:s26+$0x4010]  }
0xb3: {  	v10 =	vld [tilespmem:s26+$0x4020]  }
0xb4: {  	v11 =	vld [tilespmem:s26+$0x4030]  }
0xb5: {  	v12 =	vld [tilespmem:s26+$0x4040];
	v5 =	vadd.f32 v1, v5  }
0xb6: {  	v6 =	vadd.f32 v1, v6;
	v13 =	vld [tilespmem:s26+$0x4050]  }
0xb7: {  	v14 =	vadd.f32 v1, v7;
	v15 =	vld [tilespmem:s26+$0x4060];
	v16 =	vadd.s32 $0xB5000000, v5  }
.Ltmp4:
0xb8: {  	v7 =	vadd.s32 $0xB5000000, v6;
	v5 =	vadd.f32 v1, v10;
	[tilespmem:v3+s15+$0x0] =	vst.idx.add.f32.msk $0xffff, v2;
	(pc) =	sbr.rel @p0 .LBB2_10-.Ltmp4, $4  }
0xb9: {  	v6 =	vadd.s32 $0xB5000000, v14;
	v3 =	vadd.f32 v1, v11;
	[tilespmem:v4+s15+$0x0] =	vst.idx.add.f32.msk $0xffff, v2  }
0xba: {  	v5 =	vadd.s32 $0xB5000000, v5;
	v4 =	vadd.f32 v1, v12;
	[tilespmem:v9+s15+$0x0] =	vst.idx.add.f32.msk $0xffff, v2  }
0xbb: {  	v3 =	vadd.s32 $0xB5000000, v3;
	v9 =	vadd.f32 v1, v13;
	[tilespmem:v8+s15+$0x0] =	vst.idx.add.f32.msk $0xffff, v2  }
0xbc: {  	s23 =	sadd.s32 $0x20, s23;
	s24 =	sadd.s32 $0x400, s24;
	s25 =	sadd.s32 $0x80, s25;
	v4 =	vadd.s32 $0xB5000000, v4;
	v8 =	vadd.f32 v1, v15;
	[tilespmem:v16+s15+$0x0] =	vst.idx.add.f32.msk $0xffff, v2  }
0xbd: {  	_ =	sdelay $0x3  }
0xbe: {  	[tilespmem:v7+s15+$0x0] =	vst.idx.add.f32.msk $0xffff, v2;
	v7 =	vadd.s32 $0xB5000000, v9  }
0xbf: {  	[tilespmem:v6+s15+$0x0] =	vst.idx.add.f32.msk $0xffff, v2;
	v6 =	vadd.s32 $0xB5000000, v8  }
0xc0: {  	[tilespmem:v5+s15+$0x0] =	vst.idx.add.f32.msk $0xffff, v2  }
0xc1: {  	[tilespmem:v3+s15+$0x0] =	vst.idx.add.f32.msk $0xffff, v2  }
0xc2: {  	[tilespmem:v4+s15+$0x0] =	vst.idx.add.f32.msk $0xffff, v2  }
0xc3: {  	[tilespmem:v7+s15+$0x0] =	vst.idx.add.f32.msk $0xffff, v2  }
0xc4: {  	s22 =	simm.s32 $0x0;
	[tilespmem:v6+s15+$0x0] =	vst.idx.add.f32.msk $0xffff, v2  }
0xc5: {  	[tilespmem:s13], [sflag:$0x2] =	stream.linear.gather [hbm4b:s8+s22], $0x4000, $0x38;
	[tilespmem:$0x9100] =	vst v63  }
0xc6: {  	s23 =	sand.u32 $0x3000, s22;
	s24 =	sand.u32 $0xC00, s22;
	_ =	swait.ge [sflag:s14], $0x4000  }
0xc7: {  	s23 =	sor.u32 s24, s23;
	s22 =	sand.u32 $0x380, s22;
	[sflag:s14] =	ssyncset.done $0x0  }
0xc8: {  	s22 =	sor.u32 s22, s23;
	[sflag:s14] =	ssyncadd.s32 $0xFFFFC000  }
0xc9: {  	v3 =	vld [tilespmem:s22+$0x70]  }
0xca: {  	v4 =	vld [tilespmem:s22+$0x0]  }
0xcb: {  	v5 =	vld [tilespmem:s22+$0x10]  }
0xcc: {  	v6 =	vld [tilespmem:s22+$0x20]  }
0xcd: {  	v7 =	vld [tilespmem:s22+$0x30]  }
0xce: {  	v3 =	vadd.f32 v1, v3  }
0xcf: {  	v8 =	vld [tilespmem:s22+$0x40]  }
0xd0: {  	v9 =	vld [tilespmem:s22+$0x50];
	v11 =	vadd.s32 $0xB5000000, v3;
	v3 =	vadd.f32 v1, v4  }
0xd1: {  	v10 =	vld [tilespmem:s22+$0x60];
	v4 =	vadd.f32 v1, v5  }
0xd2: {  	v12 =	vadd.f32 v1, v7;
	v5 =	vadd.f32 v1, v6;
	v7 =	vadd.s32 $0xB5000000, v3  }
0xd3: {  	v6 =	vadd.s32 $0xB5000000, v4  }
0xd4: {  	v8 =	vadd.f32 v1, v8;
	v5 =	vadd.s32 $0xB5000000, v5  }
0xd5: {  	s25 =	simm.s32 $0x80;
	v9 =	vadd.f32 v1, v9  }
0xd6: {  	s24 =	simm.s32 $0x400;
	s23 =	simm.s32 $0x20;
	s22 =	simm.s32 $0x0;
	v3 =	vadd.s32 $0xB5000000, v12;
	v4 =	vadd.s32 $0xB5000000, v8;
	v8 =	vadd.f32 v1, v10;
	[tilespmem:v11+s15+$0x0] =	vst.idx.add.f32.msk $0xffff, v2  }
.LBB2_12:
0xd7: {  	s26 =	sand.u32 $0x3000, s25;
	s28 =	sand.u32 $0xC00, s24;
	s22 =	sadd.s32 $0x8, s22;
	[tilespmem:v7+s15+$0x0] =	vst.idx.add.f32.msk $0xffff, v2;
	v9 =	vadd.s32 $0xB5000000, v9  }
0xd8: {  	s29 =	sand.u32 $0x380, s23;
	s26 =	sor.u32 s28, s26;
	p0 =	slt.u32 s22, $0x3F8;
	[tilespmem:v6+s15+$0x0] =	vst.idx.add.f32.msk $0xffff, v2;
	v8 =	vadd.s32 $0xB5000000, v8  }
0xd9: {  	s26 =	sor.u32 s29, s26;
	[tilespmem:v5+s15+$0x0] =	vst.idx.add.f32.msk $0xffff, v2  }
0xda: {  	v5 =	vld [tilespmem:s26+$0x70]  }
0xdb: {  	v6 =	vld [tilespmem:s26+$0x0]  }
0xdc: {  	v7 =	vld [tilespmem:s26+$0x10]  }
0xdd: {  	v10 =	vld [tilespmem:s26+$0x20]  }
0xde: {  	v11 =	vld [tilespmem:s26+$0x30]  }
0xdf: {  	v12 =	vld [tilespmem:s26+$0x40];
	v5 =	vadd.f32 v1, v5  }
0xe0: {  	v6 =	vadd.f32 v1, v6;
	v13 =	vld [tilespmem:s26+$0x50]  }
0xe1: {  	v14 =	vadd.f32 v1, v7;
	v15 =	vld [tilespmem:s26+$0x60];
	v16 =	vadd.s32 $0xB5000000, v5  }
.Ltmp5:
0xe2: {  	v7 =	vadd.s32 $0xB5000000, v6;
	v5 =	vadd.f32 v1, v10;
	[tilespmem:v3+s15+$0x0] =	vst.idx.add.f32.msk $0xffff, v2;
	(pc) =	sbr.rel @p0 .LBB2_12-.Ltmp5, $4  }
0xe3: {  	v6 =	vadd.s32 $0xB5000000, v14;
	v3 =	vadd.f32 v1, v11;
	[tilespmem:v4+s15+$0x0] =	vst.idx.add.f32.msk $0xffff, v2  }
0xe4: {  	v5 =	vadd.s32 $0xB5000000, v5;
	v4 =	vadd.f32 v1, v12;
	[tilespmem:v9+s15+$0x0] =	vst.idx.add.f32.msk $0xffff, v2  }
0xe5: {  	v3 =	vadd.s32 $0xB5000000, v3;
	v9 =	vadd.f32 v1, v13;
	[tilespmem:v8+s15+$0x0] =	vst.idx.add.f32.msk $0xffff, v2  }
0xe6: {  	s23 =	sadd.s32 $0x20, s23;
	s24 =	sadd.s32 $0x400, s24;
	s25 =	sadd.s32 $0x80, s25;
	v4 =	vadd.s32 $0xB5000000, v4;
	v8 =	vadd.f32 v1, v15;
	[tilespmem:v16+s15+$0x0] =	vst.idx.add.f32.msk $0xffff, v2  }
0xe7: {  	_ =	sdelay $0x3  }
0xe8: {  	[tilespmem:v7+s15+$0x0] =	vst.idx.add.f32.msk $0xffff, v2;
	v7 =	vadd.s32 $0xB5000000, v9  }
0xe9: {  	[tilespmem:v6+s15+$0x0] =	vst.idx.add.f32.msk $0xffff, v2;
	v6 =	vadd.s32 $0xB5000000, v8  }
0xea: {  	[tilespmem:v5+s15+$0x0] =	vst.idx.add.f32.msk $0xffff, v2  }
0xeb: {  	[tilespmem:v3+s15+$0x0] =	vst.idx.add.f32.msk $0xffff, v2  }
0xec: {  	[tilespmem:v4+s15+$0x0] =	vst.idx.add.f32.msk $0xffff, v2  }
0xed: {  	[tilespmem:v7+s15+$0x0] =	vst.idx.add.f32.msk $0xffff, v2  }
0xee: {  	s22 =	simm.s32 $0x0;
	[tilespmem:v6+s15+$0x0] =	vst.idx.add.f32.msk $0xffff, v2  }
0xef: {  	[tilespmem:s22], [sflag:$0x1] =	stream.linear.gather [hbm4b:s9+s22], $0x4000, $0x38;
	[tilespmem:$0x9100] =	vst v63  }
0xf0: {  	s23 =	sand.u32 $0x3000, s22;
	s24 =	sand.u32 $0xC00, s22;
	_ =	swait.ge [sflag:s16], $0x4000  }
0xf1: {  	s23 =	sor.u32 s24, s23;
	s22 =	sand.u32 $0x380, s22;
	[sflag:s16] =	ssyncset.done $0x0  }
0xf2: {  	s22 =	sor.u32 s22, s23;
	[sflag:s16] =	ssyncadd.s32 $0xFFFFC000  }
0xf3: {  	v3 =	vld [tilespmem:s22+$0x4070]  }
0xf4: {  	v4 =	vld [tilespmem:s22+$0x4000]  }
0xf5: {  	v5 =	vld [tilespmem:s22+$0x4010]  }
0xf6: {  	v6 =	vld [tilespmem:s22+$0x4020]  }
0xf7: {  	v7 =	vld [tilespmem:s22+$0x4030]  }
0xf8: {  	v3 =	vadd.f32 v1, v3  }
0xf9: {  	v8 =	vld [tilespmem:s22+$0x4040]  }
0xfa: {  	v9 =	vld [tilespmem:s22+$0x4050];
	v11 =	vadd.s32 $0xB5000000, v3;
	v3 =	vadd.f32 v1, v4  }
0xfb: {  	v10 =	vld [tilespmem:s22+$0x4060];
	v4 =	vadd.f32 v1, v5  }
0xfc: {  	v12 =	vadd.f32 v1, v7;
	v5 =	vadd.f32 v1, v6;
	v7 =	vadd.s32 $0xB5000000, v3  }
0xfd: {  	v6 =	vadd.s32 $0xB5000000, v4  }
0xfe: {  	v8 =	vadd.f32 v1, v8;
	v5 =	vadd.s32 $0xB5000000, v5  }
0xff: {  	s25 =	simm.s32 $0x80;
	v9 =	vadd.f32 v1, v9  }
0x100: {  	s24 =	simm.s32 $0x400;
	s23 =	simm.s32 $0x20;
	s22 =	simm.s32 $0x0;
	v3 =	vadd.s32 $0xB5000000, v12;
	v4 =	vadd.s32 $0xB5000000, v8;
	v8 =	vadd.f32 v1, v10;
	[tilespmem:v11+s15+$0x0] =	vst.idx.add.f32.msk $0xffff, v2  }
.LBB2_14:
0x101: {  	s26 =	sand.u32 $0x3000, s25;
	s28 =	sand.u32 $0xC00, s24;
	s22 =	sadd.s32 $0x8, s22;
	[tilespmem:v7+s15+$0x0] =	vst.idx.add.f32.msk $0xffff, v2;
	v9 =	vadd.s32 $0xB5000000, v9  }
0x102: {  	s29 =	sand.u32 $0x380, s23;
	s26 =	sor.u32 s28, s26;
	p0 =	slt.u32 s22, $0x3F8;
	[tilespmem:v6+s15+$0x0] =	vst.idx.add.f32.msk $0xffff, v2;
	v8 =	vadd.s32 $0xB5000000, v8  }
0x103: {  	s26 =	sor.u32 s29, s26;
	[tilespmem:v5+s15+$0x0] =	vst.idx.add.f32.msk $0xffff, v2  }
0x104: {  	v5 =	vld [tilespmem:s26+$0x4070]  }
0x105: {  	v6 =	vld [tilespmem:s26+$0x4000]  }
0x106: {  	v7 =	vld [tilespmem:s26+$0x4010]  }
0x107: {  	v10 =	vld [tilespmem:s26+$0x4020]  }
0x108: {  	v11 =	vld [tilespmem:s26+$0x4030]  }
0x109: {  	v12 =	vld [tilespmem:s26+$0x4040];
	v5 =	vadd.f32 v1, v5  }
0x10a: {  	v6 =	vadd.f32 v1, v6;
	v13 =	vld [tilespmem:s26+$0x4050]  }
0x10b: {  	v14 =	vadd.f32 v1, v7;
	v15 =	vld [tilespmem:s26+$0x4060];
	v16 =	vadd.s32 $0xB5000000, v5  }
.Ltmp6:
0x10c: {  	v7 =	vadd.s32 $0xB5000000, v6;
	v5 =	vadd.f32 v1, v10;
	[tilespmem:v3+s15+$0x0] =	vst.idx.add.f32.msk $0xffff, v2;
	(pc) =	sbr.rel @p0 .LBB2_14-.Ltmp6, $4  }
0x10d: {  	v6 =	vadd.s32 $0xB5000000, v14;
	v3 =	vadd.f32 v1, v11;
	[tilespmem:v4+s15+$0x0] =	vst.idx.add.f32.msk $0xffff, v2  }
0x10e: {  	v5 =	vadd.s32 $0xB5000000, v5;
	v4 =	vadd.f32 v1, v12;
	[tilespmem:v9+s15+$0x0] =	vst.idx.add.f32.msk $0xffff, v2  }
0x10f: {  	v3 =	vadd.s32 $0xB5000000, v3;
	v9 =	vadd.f32 v1, v13;
	[tilespmem:v8+s15+$0x0] =	vst.idx.add.f32.msk $0xffff, v2  }
0x110: {  	s23 =	sadd.s32 $0x20, s23;
	s24 =	sadd.s32 $0x400, s24;
	s25 =	sadd.s32 $0x80, s25;
	v4 =	vadd.s32 $0xB5000000, v4;
	v8 =	vadd.f32 v1, v15;
	[tilespmem:v16+s15+$0x0] =	vst.idx.add.f32.msk $0xffff, v2  }
0x111: {  	_ =	sdelay $0x3  }
0x112: {  	[tilespmem:v7+s15+$0x0] =	vst.idx.add.f32.msk $0xffff, v2;
	v7 =	vadd.s32 $0xB5000000, v9  }
0x113: {  	[tilespmem:v6+s15+$0x0] =	vst.idx.add.f32.msk $0xffff, v2;
	v6 =	vadd.s32 $0xB5000000, v8  }
0x114: {  	[tilespmem:v5+s15+$0x0] =	vst.idx.add.f32.msk $0xffff, v2  }
0x115: {  	[tilespmem:v3+s15+$0x0] =	vst.idx.add.f32.msk $0xffff, v2  }
0x116: {  	[tilespmem:v4+s15+$0x0] =	vst.idx.add.f32.msk $0xffff, v2  }
0x117: {  	[tilespmem:v7+s15+$0x0] =	vst.idx.add.f32.msk $0xffff, v2  }
0x118: {  	s22 =	simm.s32 $0x0;
	[tilespmem:v6+s15+$0x0] =	vst.idx.add.f32.msk $0xffff, v2  }
0x119: {  	[tilespmem:s13], [sflag:$0x2] =	stream.linear.gather [hbm4b:s10+s22], $0x4000, $0x38;
	[tilespmem:$0x9100] =	vst v63  }
0x11a: {  	s23 =	sand.u32 $0x3000, s22;
	s24 =	sand.u32 $0xC00, s22;
	_ =	swait.ge [sflag:s14], $0x4000  }
0x11b: {  	s23 =	sor.u32 s24, s23;
	s22 =	sand.u32 $0x380, s22;
	[sflag:s14] =	ssyncset.done $0x0  }
0x11c: {  	s22 =	sor.u32 s22, s23;
	[sflag:s14] =	ssyncadd.s32 $0xFFFFC000  }
0x11d: {  	v3 =	vld [tilespmem:s22+$0x70]  }
0x11e: {  	v4 =	vld [tilespmem:s22+$0x0]  }
0x11f: {  	v5 =	vld [tilespmem:s22+$0x10]  }
0x120: {  	v6 =	vld [tilespmem:s22+$0x20]  }
0x121: {  	v7 =	vld [tilespmem:s22+$0x30]  }
0x122: {  	v3 =	vadd.f32 v1, v3  }
0x123: {  	v8 =	vld [tilespmem:s22+$0x40]  }
0x124: {  	v9 =	vld [tilespmem:s22+$0x50];
	v11 =	vadd.s32 $0xB5000000, v3;
	v3 =	vadd.f32 v1, v4  }
0x125: {  	v10 =	vld [tilespmem:s22+$0x60];
	v4 =	vadd.f32 v1, v5  }
0x126: {  	v12 =	vadd.f32 v1, v7;
	v5 =	vadd.f32 v1, v6;
	v7 =	vadd.s32 $0xB5000000, v3  }
0x127: {  	v6 =	vadd.s32 $0xB5000000, v4  }
0x128: {  	v8 =	vadd.f32 v1, v8;
	v5 =	vadd.s32 $0xB5000000, v5  }
0x129: {  	s25 =	simm.s32 $0x80;
	v9 =	vadd.f32 v1, v9  }
0x12a: {  	s24 =	simm.s32 $0x400;
	s23 =	simm.s32 $0x20;
	s22 =	simm.s32 $0x0;
	v3 =	vadd.s32 $0xB5000000, v12;
	v4 =	vadd.s32 $0xB5000000, v8;
	v8 =	vadd.f32 v1, v10;
	[tilespmem:v11+s15+$0x0] =	vst.idx.add.f32.msk $0xffff, v2  }
.LBB2_16:
0x12b: {  	s26 =	sand.u32 $0x3000, s25;
	s28 =	sand.u32 $0xC00, s24;
	s22 =	sadd.s32 $0x8, s22;
	[tilespmem:v7+s15+$0x0] =	vst.idx.add.f32.msk $0xffff, v2;
	v9 =	vadd.s32 $0xB5000000, v9  }
0x12c: {  	s29 =	sand.u32 $0x380, s23;
	s26 =	sor.u32 s28, s26;
	p0 =	slt.u32 s22, $0x3F8;
	[tilespmem:v6+s15+$0x0] =	vst.idx.add.f32.msk $0xffff, v2;
	v8 =	vadd.s32 $0xB5000000, v8  }
0x12d: {  	s26 =	sor.u32 s29, s26;
	[tilespmem:v5+s15+$0x0] =	vst.idx.add.f32.msk $0xffff, v2  }
0x12e: {  	v5 =	vld [tilespmem:s26+$0x70]  }
0x12f: {  	v6 =	vld [tilespmem:s26+$0x0]  }
0x130: {  	v7 =	vld [tilespmem:s26+$0x10]  }
0x131: {  	v10 =	vld [tilespmem:s26+$0x20]  }
0x132: {  	v11 =	vld [tilespmem:s26+$0x30]  }
0x133: {  	v12 =	vld [tilespmem:s26+$0x40];
	v5 =	vadd.f32 v1, v5  }
0x134: {  	v6 =	vadd.f32 v1, v6;
	v13 =	vld [tilespmem:s26+$0x50]  }
0x135: {  	v14 =	vadd.f32 v1, v7;
	v15 =	vld [tilespmem:s26+$0x60];
	v16 =	vadd.s32 $0xB5000000, v5  }
.Ltmp7:
0x136: {  	v7 =	vadd.s32 $0xB5000000, v6;
	v5 =	vadd.f32 v1, v10;
	[tilespmem:v3+s15+$0x0] =	vst.idx.add.f32.msk $0xffff, v2;
	(pc) =	sbr.rel @p0 .LBB2_16-.Ltmp7, $4  }
0x137: {  	v6 =	vadd.s32 $0xB5000000, v14;
	v3 =	vadd.f32 v1, v11;
	[tilespmem:v4+s15+$0x0] =	vst.idx.add.f32.msk $0xffff, v2  }
0x138: {  	v5 =	vadd.s32 $0xB5000000, v5;
	v4 =	vadd.f32 v1, v12;
	[tilespmem:v9+s15+$0x0] =	vst.idx.add.f32.msk $0xffff, v2  }
0x139: {  	v3 =	vadd.s32 $0xB5000000, v3;
	v9 =	vadd.f32 v1, v13;
	[tilespmem:v8+s15+$0x0] =	vst.idx.add.f32.msk $0xffff, v2  }
0x13a: {  	s23 =	sadd.s32 $0x20, s23;
	s24 =	sadd.s32 $0x400, s24;
	s25 =	sadd.s32 $0x80, s25;
	v4 =	vadd.s32 $0xB5000000, v4;
	v8 =	vadd.f32 v1, v15;
	[tilespmem:v16+s15+$0x0] =	vst.idx.add.f32.msk $0xffff, v2  }
0x13b: {  	_ =	sdelay $0x3  }
0x13c: {  	[tilespmem:v7+s15+$0x0] =	vst.idx.add.f32.msk $0xffff, v2;
	v7 =	vadd.s32 $0xB5000000, v9  }
0x13d: {  	[tilespmem:v6+s15+$0x0] =	vst.idx.add.f32.msk $0xffff, v2;
	v6 =	vadd.s32 $0xB5000000, v8  }
0x13e: {  	[tilespmem:v5+s15+$0x0] =	vst.idx.add.f32.msk $0xffff, v2  }
0x13f: {  	[tilespmem:v3+s15+$0x0] =	vst.idx.add.f32.msk $0xffff, v2  }
0x140: {  	[tilespmem:v4+s15+$0x0] =	vst.idx.add.f32.msk $0xffff, v2  }
0x141: {  	[tilespmem:v7+s15+$0x0] =	vst.idx.add.f32.msk $0xffff, v2  }
0x142: {  	s24 =	simm.s32 $0x0;
	[tilespmem:v6+s15+$0x0] =	vst.idx.add.f32.msk $0xffff, v2  }
0x143: {  	s22 =	sand.u32 $0x3000, s24;
	s23 =	sand.u32 $0xC00, s24;
	_ =	swait.ge [sflag:s16], $0x4000  }
0x144: {  	s25 =	sand.u32 $0x380, s24;
	s22 =	sor.u32 s23, s22;
	[sflag:s16] =	ssyncset.done $0x0  }
0x145: {  	s22 =	sor.u32 s25, s22;
	[sflag:s16] =	ssyncadd.s32 $0xFFFFC000  }
0x146: {  	v3 =	vld [tilespmem:s22+$0x4070]  }
0x147: {  	v4 =	vld [tilespmem:s22+$0x4000]  }
0x148: {  	v5 =	vld [tilespmem:s22+$0x4010]  }
0x149: {  	v6 =	vld [tilespmem:s22+$0x4020]  }
0x14a: {  	v7 =	vld [tilespmem:s22+$0x4030]  }
0x14b: {  	v3 =	vadd.f32 v1, v3  }
0x14c: {  	v8 =	vld [tilespmem:s22+$0x4040]  }
0x14d: {  	v9 =	vld [tilespmem:s22+$0x4050];
	v11 =	vadd.s32 $0xB5000000, v3;
	v3 =	vadd.f32 v1, v4  }
0x14e: {  	v10 =	vld [tilespmem:s22+$0x4060];
	v4 =	vadd.f32 v1, v5  }
0x14f: {  	v12 =	vadd.f32 v1, v7;
	v5 =	vadd.f32 v1, v6;
	v7 =	vadd.s32 $0xB5000000, v3  }
0x150: {  	v6 =	vadd.s32 $0xB5000000, v4  }
0x151: {  	v8 =	vadd.f32 v1, v8;
	v5 =	vadd.s32 $0xB5000000, v5  }
0x152: {  	s26 =	simm.s32 $0x20;
	s28 =	simm.s32 $0x400;
	s29 =	simm.s32 $0x80;
	v9 =	vadd.f32 v1, v9  }
0x153: {  	s23 =	simm.s32 $0x8810;
	s25 =	simm.s32 $0x0;
	s22 =	simm.s32 $0x9010;
	v3 =	vadd.s32 $0xB5000000, v12;
	v4 =	vadd.s32 $0xB5000000, v8;
	v8 =	vadd.f32 v1, v10;
	[tilespmem:v11+s15+$0x0] =	vst.idx.add.f32.msk $0xffff, v2  }
.LBB2_18:
0x154: {  	s30 =	sand.u32 $0x3000, s29;
	s31 =	sand.u32 $0xC00, s28;
	s25 =	sadd.s32 $0x8, s25;
	[tilespmem:v7+s15+$0x0] =	vst.idx.add.f32.msk $0xffff, v2;
	v9 =	vadd.s32 $0xB5000000, v9  }
0x155: {  	s0 =	sand.u32 $0x380, s26;
	s30 =	sor.u32 s31, s30;
	p0 =	slt.u32 s25, $0x3F8;
	[tilespmem:v6+s15+$0x0] =	vst.idx.add.f32.msk $0xffff, v2;
	v8 =	vadd.s32 $0xB5000000, v8  }
0x156: {  	s0 =	sor.u32 s0, s30;
	[tilespmem:v5+s15+$0x0] =	vst.idx.add.f32.msk $0xffff, v2  }
0x157: {  	v5 =	vld [tilespmem:s0+$0x4070]  }
0x158: {  	v6 =	vld [tilespmem:s0+$0x4000]  }
0x159: {  	v7 =	vld [tilespmem:s0+$0x4010]  }
0x15a: {  	v10 =	vld [tilespmem:s0+$0x4020]  }
0x15b: {  	v11 =	vld [tilespmem:s0+$0x4030]  }
0x15c: {  	v12 =	vld [tilespmem:s0+$0x4040];
	v5 =	vadd.f32 v1, v5  }
0x15d: {  	v6 =	vadd.f32 v1, v6;
	v13 =	vld [tilespmem:s0+$0x4050]  }
0x15e: {  	v14 =	vadd.f32 v1, v7;
	v15 =	vld [tilespmem:s0+$0x4060];
	v16 =	vadd.s32 $0xB5000000, v5  }
.Ltmp8:
0x15f: {  	v7 =	vadd.s32 $0xB5000000, v6;
	v5 =	vadd.f32 v1, v10;
	[tilespmem:v3+s15+$0x0] =	vst.idx.add.f32.msk $0xffff, v2;
	(pc) =	sbr.rel @p0 .LBB2_18-.Ltmp8, $4  }
0x160: {  	v6 =	vadd.s32 $0xB5000000, v14;
	v3 =	vadd.f32 v1, v11;
	[tilespmem:v4+s15+$0x0] =	vst.idx.add.f32.msk $0xffff, v2  }
0x161: {  	v5 =	vadd.s32 $0xB5000000, v5;
	v4 =	vadd.f32 v1, v12;
	[tilespmem:v9+s15+$0x0] =	vst.idx.add.f32.msk $0xffff, v2  }
0x162: {  	v3 =	vadd.s32 $0xB5000000, v3;
	v9 =	vadd.f32 v1, v13;
	[tilespmem:v8+s15+$0x0] =	vst.idx.add.f32.msk $0xffff, v2  }
0x163: {  	s26 =	sadd.s32 $0x20, s26;
	s28 =	sadd.s32 $0x400, s28;
	s29 =	sadd.s32 $0x80, s29;
	v4 =	vadd.s32 $0xB5000000, v4;
	v8 =	vadd.f32 v1, v15;
	[tilespmem:v16+s15+$0x0] =	vst.idx.add.f32.msk $0xffff, v2  }
0x164: {  	_ =	sdelay $0x3  }
0x165: {  	[tilespmem:v7+s15+$0x0] =	vst.idx.add.f32.msk $0xffff, v2;
	v7 =	vadd.s32 $0xB5000000, v9  }
0x166: {  	[tilespmem:v6+s15+$0x0] =	vst.idx.add.f32.msk $0xffff, v2;
	v6 =	vadd.s32 $0xB5000000, v8  }
0x167: {  	[tilespmem:v5+s15+$0x0] =	vst.idx.add.f32.msk $0xffff, v2  }
0x168: {  	[tilespmem:v3+s15+$0x0] =	vst.idx.add.f32.msk $0xffff, v2  }
0x169: {  	[tilespmem:v4+s15+$0x0] =	vst.idx.add.f32.msk $0xffff, v2  }
0x16a: {  	[tilespmem:v7+s15+$0x0] =	vst.idx.add.f32.msk $0xffff, v2  }
0x16b: {  	[tilespmem:v6+s15+$0x0] =	vst.idx.add.f32.msk $0xffff, v2  }
0x16c: {  	s0 =	sand.u32 $0xE0, s24;
	v3 =	vld [tilespmem:s23+$0xFFFFF7F0]  }
0x16d: {  	v4 =	vld [tilespmem:s0+$0x8100]  }
0x16e: {  	v5 =	vld [tilespmem:s0+$0x8200]  }
0x16f: {  	v6 =	vld [tilespmem:s0+$0x8300]  }
0x170: {  	v7 =	vld [tilespmem:s0+$0x8400]  }
0x171: {  	v8 =	vld [tilespmem:s0+$0x8500]  }
0x172: {  	v9 =	vld [tilespmem:s0+$0x8600]  }
0x173: {  	v10 =	vld [tilespmem:s0+$0x8700]  }
0x174: {  	v11 =	vld [tilespmem:s0+$0x8800]  }
0x175: {  	v12 =	vld [tilespmem:s0+$0x8900]  }
0x176: {  	v13 =	vld [tilespmem:s0+$0x8A00]  }
0x177: {  	v14 =	vld [tilespmem:s0+$0x8B00]  }
0x178: {  	v15 =	vld [tilespmem:s0+$0x8C00]  }
0x179: {  	v16 =	vld [tilespmem:s0+$0x8D00]  }
0x17a: {  	v17 =	vld [tilespmem:s0+$0x8E00]  }
0x17b: {  	v18 =	vld [tilespmem:s0+$0x8F00]  }
0x17c: {  	v19 =	vld [tilespmem:s23+$0xFFFFF800]  }
0x17d: {  	v20 =	vld [tilespmem:s23+$0xFFFFF900]  }
0x17e: {  	v21 =	vld [tilespmem:s23+$0xFFFFFA00]  }
0x17f: {  	v60 =	vld [tilespmem:s23+$0xFFFFFE00];
	v3 =	vadd.f32 v4, v3;
	v4 =	vadd.f32 v6, v5  }
0x180: {  	v5 =	vld [tilespmem:s23+$0xFFFFFB00];
	v6 =	vadd.f32 v8, v7;
	v7 =	vadd.f32 v10, v9  }
0x181: {  	v8 =	vld [tilespmem:s23+$0xFFFFFC00];
	v9 =	vadd.f32 v12, v11;
	v10 =	vadd.f32 v14, v13  }
0x182: {  	v11 =	vld [tilespmem:s23+$0xFFFFFD00];
	v58 =	vadd.f32 v16, v15;
	v59 =	vadd.f32 v18, v17  }
0x183: {  	v3 =	vadd.f32 v4, v3;
	v4 =	vadd.f32 v7, v6;
	v6 =	vld [tilespmem:s23+$0xFFFFFF00]  }
0x184: {  	v61 =	vld [tilespmem:s23+$0x100];
	v7 =	vadd.f32 v10, v9;
	v9 =	vadd.f32 v59, v58  }
0x185: {  	v10 =	vld [tilespmem:s23+$0x0]  }
0x186: {  	v62 =	vadd.f32 v4, v3;
	v7 =	vadd.f32 v9, v7;
	v3 =	vld [tilespmem:s23+$0x200]  }
0x187: {  	v9 =	vadd.f32 v20, v19;
	v4 =	vld [tilespmem:s23+$0x300];
	v63 =	vadd.f32 v5, v21  }
0x188: {  	v5 =	vld [tilespmem:s23+$0x400];
	v11 =	vadd.f32 v11, v8;
	v14 =	vadd.f32 v6, v60  }
0x189: {  	v8 =	vld [tilespmem:s23+$0x500];
	v13 =	vadd.f32 v7, v62  }
0x18a: {  	v7 =	vld [tilespmem:s23+$0x600];
	v6 =	vadd.f32 v63, v9;
	v11 =	vadd.f32 v14, v11  }
0x18b: {  	s24 =	simm.s32 $0x0;
	s25 =	simm.s32 $0x20;
	v9 =	vadd.f32 v61, v10;
	v10 =	vld [tilespmem:s23+$0x700];
	s23 =	simm.s32 $0x8830;
	[tilespmem:s22+$0xFFFFFFF0] =	vst v13  }
.LBB2_20:
0x18c: {  	v12 =	vld [tilespmem:s23+$0xFFFFF7F0];
	s0 =	sand.u32 $0xE0, s25;
	v3 =	vadd.f32 v4, v3;
	v4 =	vadd.f32 v11, v6  }
0x18d: {  	v6 =	vld [tilespmem:s0+$0x8100]  }
0x18e: {  	v11 =	vld [tilespmem:s0+$0x8200];
	v5 =	vadd.f32 v8, v5;
	v3 =	vadd.f32 v3, v9  }
0x18f: {  	v8 =	vld [tilespmem:s0+$0x8300]  }
0x190: {  	v9 =	vld [tilespmem:s0+$0x8400];
	v7 =	vadd.f32 v10, v7  }
0x191: {  	v10 =	vld [tilespmem:s0+$0x8500]  }
0x192: {  	v13 =	vld [tilespmem:s0+$0x8600];
	v5 =	vadd.f32 v7, v5  }
0x193: {  	v7 =	vld [tilespmem:s0+$0x8700]  }
0x194: {  	v14 =	vld [tilespmem:s0+$0x8800];
	v3 =	vadd.f32 v5, v3  }
0x195: {  	v5 =	vld [tilespmem:s0+$0x8900]  }
0x196: {  	v15 =	vld [tilespmem:s0+$0x8A00];
	v3 =	vadd.f32 v3, v4  }
0x197: {  	v4 =	vld [tilespmem:s0+$0x8B00]  }
0x198: {  	v16 =	vld [tilespmem:s0+$0x8C00];
	[tilespmem:s22+$0x0] =	vst v3  }
0x199: {  	v3 =	vld [tilespmem:s0+$0x8D00]  }
0x19a: {  	s24 =	sadd.s32 $0x2, s24;
	v17 =	vld [tilespmem:s0+$0x8E00]  }
0x19b: {  	p0 =	slt.u32 s24, $0xE;
	v18 =	vld [tilespmem:s0+$0x8F00]  }
0x19c: {  	v19 =	vld [tilespmem:s23+$0xFFFFF800]  }
0x19d: {  	v6 =	vadd.f32 v6, v12;
	v8 =	vadd.f32 v8, v11;
	v11 =	vld [tilespmem:s23+$0xFFFFF900]  }
0x19e: {  	v9 =	vadd.f32 v10, v9;
	v7 =	vadd.f32 v7, v13;
	v10 =	vld [tilespmem:s23+$0xFFFFFA00]  }
0x19f: {  	v5 =	vadd.f32 v5, v14;
	v4 =	vadd.f32 v4, v15;
	v12 =	vld [tilespmem:s23+$0xFFFFFB00]  }
0x1a0: {  	v3 =	vadd.f32 v3, v16;
	v13 =	vadd.f32 v18, v17;
	v14 =	vld [tilespmem:s23+$0xFFFFFC00]  }
0x1a1: {  	v6 =	vadd.f32 v8, v6;
	v7 =	vadd.f32 v7, v9;
	v8 =	vld [tilespmem:s23+$0xFFFFFD00]  }
0x1a2: {  	v4 =	vadd.f32 v4, v5;
	v3 =	vadd.f32 v13, v3;
	v9 =	vld [tilespmem:s23+$0xFFFFFE00]  }
0x1a3: {  	v5 =	vadd.f32 v11, v19;
	v13 =	vld [tilespmem:s23+$0xFFFFFF00]  }
0x1a4: {  	v6 =	vadd.f32 v7, v6;
	v3 =	vadd.f32 v3, v4;
	v11 =	vld [tilespmem:s23+$0x0]  }
0x1a5: {  	v7 =	vadd.f32 v12, v10;
	v15 =	vld [tilespmem:s23+$0x100]  }
0x1a6: {  	v10 =	vadd.f32 v3, v6;
	v3 =	vld [tilespmem:s23+$0x200];
	v12 =	vadd.f32 v8, v14  }
.Ltmp9:
0x1a7: {  	s22 =	sadd.s32 $0x20, s22;
	v6 =	vadd.f32 v7, v5;
	v4 =	vld [tilespmem:s23+$0x300];
	(pc) =	sbr.rel @p0 .LBB2_20-.Ltmp9, $4  }
0x1a8: {  	[tilespmem:s22+$0xFFFFFFF0] =	vst v10;
	v5 =	vld [tilespmem:s23+$0x400];
	v10 =	vadd.f32 v13, v9  }
0x1a9: {  	v8 =	vld [tilespmem:s23+$0x500]  }
0x1aa: {  	v7 =	vld [tilespmem:s23+$0x600];
	v9 =	vadd.f32 v15, v11;
	v11 =	vadd.f32 v10, v12  }
0x1ab: {  	s25 =	sadd.s32 $0x20, s25;
	v10 =	vld [tilespmem:s23+$0x700];
	s23 =	sadd.s32 $0x20, s23  }
0x1ac: {  	_ =	sdelay $0x2  }
0x1ad: {  	v3 =	vadd.f32 v4, v3  }
0x1ae: {  	v61 =	vadd.f32 v8, v5;
	v62 =	vadd.f32 v10, v7;
	_ =	sdelay $0x1  }
0x1af: {  	v3 =	vadd.f32 v3, v9;
	v4 =	vadd.f32 v62, v61;
	_ =	sdelay $0x1  }
0x1b0: {  	v63 =	vadd.f32 v11, v6;
	v3 =	vadd.f32 v4, v3;
	_ =	sdelay $0x1  }
0x1b1: {  	s21 =	sadd.s32 $0x1, s21;
	v3 =	vadd.f32 v3, v63  }
0x1b2: {  	p0 =	sne.s32 s21, s12  }
.Ltmp10:
0x1b3: {  	[tilespmem:s22+$0x0] =	vst v3;
	(pc) =	sbr.rel @p0 .LBB2_1-.Ltmp10, $4  }
0x1b4: {  	[hbm4b:s11+s17] =	stream.strided.scatter [tilespmem:s19], [sflag:$0x3], $0x100, s18, s17, $0x38;
	[tilespmem:$0x9100] =	vst v63  }
0x1b5: {  	_ =	swait.ge [sflag:s20], $0x100  }
0x1b6: {  	[sflag:s20] =	ssyncset.done $0x0  }
0x1b7: {  	[sflag:s20] =	ssyncadd.s32 $0xFFFFFF00  }
0x1b8: {  	_ =	sfence.sel $0x180000  }
0x1b9: {  	[bflag:$0x0] =	sbarrier.arrive $0xFFFF  }
0x1ba: {  	_ =	strace $0x90000047  }
0x1bb: {  	[bflag:$0x2] =	sbarrier.arrive $0xFFFF  }
0x1bc: {  	p0 =	sne.s32 s1, $0x0;
	s0 =	rddreg [dreg:$0x2]  }
0x1bd: {  	s0 =	sadd.s32 @!p0 $0x100000, s0  }
0x1be: {  	[sflag:s0] =	ssyncadd.tile.s32 @!p0 $0x1;
	_ =	shalt  }
.Lfunc_end2:
_tile_overlayer_lowered:
.L_overlay_start_2:
0x1bf: {  	(tag) =	ssettag $0x2  }
0x1c0: {  	s0 =	rddreg [dreg:$0x0];
	s2 =	stileid.u32  }
0x1c1: {  	s1 =	rddreg [dreg:$0x1];
	p0 =	sne.s32 s2, $0x0  }
0x1c2: {  	s3 =	rddreg [dreg:$0x2];
	[bflag:$0x3] =	sbarrier.arrive $0xFFFF;
	s2 =	simm.s32 @!p0 $0x1C03  }
0x1c3: {  	[timem:s3], [sflag:s2] =	dma.local @!p0 [hbm:s0], s1  }
0x1c4: {  	s0 =	simm.s32 @!p0 $0x3  }
0x1c5: {  	_ =	swait.ge @!p0 [sflag:s0], s1  }
0x1c6: {  	s1 =	ssub.s32 @!p0 $0x0, s1;
	[sflag:s0] =	ssyncset.done @!p0 $0x0  }
0x1c7: {  	[sflag:s0] =	ssyncadd.s32 @!p0 s1  }
0x1c8: {  	[bflag:$0x3] =	sbarrier.arrive $0xFFFF  }
0x1c9: {  	_ =	shalt  }

</sc_bundles>
